<compile_context>
chip_gen: v7x
topology: tpu7x:2x2x1
jax: 0.10.2.dev20260603
libtpu: 0.0.44.dev20260713+nightly
codegen_flags: <defaults>
</compile_context>

<pallas_src>
import functools

import jax
import jax.numpy as jnp
from jax import lax
from jax.experimental import pallas as pl
from jax.experimental.pallas import tpu as pltpu
from jax.experimental.pallas import tpu_sc as plsc

_NC, _NS, _L = 2, 16, 16
_NW = _NC * _NS
_ITB = 4
_NBUF = 3


@functools.lru_cache(maxsize=None)
def _make_sc_gather(n_i, n_j, n_frames):
    jt_n, it_n = n_j // 8, n_i // 128
    n_chunks_total = jt_n * (it_n // _ITB)
    assert n_chunks_total % _NW == 0
    per_w = n_chunks_total // _NW
    assert per_w % _NBUF == 1
    itb_n = it_n // _ITB
    seg = _ITB * 512
    mesh = plsc.VectorSubcoreMesh(core_axis_name="c", subcore_axis_name="s")

    @functools.partial(
        pl.kernel,
        out_type=jax.ShapeDtypeStruct((jt_n, 8, itb_n, seg), jnp.float32),
        mesh=mesh,
        compiler_params=pltpu.CompilerParams(
            needs_layout_passes=False, use_tc_tiling_on_sc=False
        ),
        scratch_types=[
            pltpu.VMEM((n_frames,), jnp.int32),
            pltpu.VMEM((n_frames * 4,), jnp.float32),
            pltpu.VMEM((n_frames * 4,), jnp.float32),
            pltpu.VMEM((_NBUF, _ITB * 1024), jnp.int32),
            pltpu.VMEM((_NBUF, 8, seg), jnp.float32),
        ] + [pltpu.SemaphoreType.DMA] * (2 * _NBUF),
    )
    def k(fid_hbm, fmi_hbm, intr_hbm, out_hbm, fmi_v, intr_v, tbl_v, idx_v,
          out_v, *sems):
        wid = lax.axis_index("s") * _NC + lax.axis_index("c")
        base = wid * per_w
        iota4 = lax.broadcasted_iota(jnp.int32, (_L,), 0) * 4
        sin = sems[:_NBUF]
        sout = sems[_NBUF:]

        def in_copy(q, b):
            return pltpu.make_async_copy(
                fid_hbm.at[pl.ds(q * (_ITB * 1024), _ITB * 1024)],
                idx_v.at[b],
                sin[b],
            )

        def out_copies(q, b):
            jt = q // itb_n
            itb = q % itb_n
            return [
                pltpu.make_async_copy(
                    out_v.at[b],
                    out_hbm.at[jt, :, itb],
                    sout[b],
                )
            ]

        def compute(b):
            @plsc.parallel_loop(0, 8 * _ITB * (128 // _L), 1, unroll=4)
            def gbody(v):
                js = v >> 5
                itq = (v >> 3) & (_ITB - 1)
                u = v & 7
                f4 = idx_v[
                    b, pl.ds(itq * 1024 + js * 128 + u * _L, _L)
                ] * 4
                base_o = itq * 512 + u * _L
                for c in range(4):
                    vals = plsc.load_gather(tbl_v, [f4 + c])
                    out_v[b, js, pl.ds(base_o + c * 128, _L)] = vals

        pltpu.sync_copy(fmi_hbm, fmi_v)
        pltpu.sync_copy(intr_hbm, intr_v)
        for h in range(n_frames // _L):
            m4 = fmi_v[pl.ds(h * _L, _L)] * 4
            for c in range(4):
                vals = plsc.load_gather(intr_v, [m4 + c])
                plsc.store_scatter(tbl_v, [iota4 + (h * _L * 4 + c)], vals)

        in_copy(base, 0).start()
        in_copy(base + 1, 1).start()

        def step(q, b):
            in_copy(q, b).wait()

            @pl.when(q >= base + _NBUF)
            def _():
                for cp in out_copies(q, b):
                    cp.wait()

            compute(b)
            for cp in out_copies(q, b):
                cp.start()

            @pl.when(q + 2 < base + per_w)
            def _():
                in_copy(q + 2, (b + 2) % _NBUF).start()

        def body(g, carry):
            q = base + _NBUF * g
            for b in range(_NBUF):
                step(q + b, b)
            return carry

        lax.fori_loop(0, (per_w - 1) // _NBUF, body, 0)
        step(base + per_w - 1, (per_w - 1) % _NBUF)
        for db in range(1, _NBUF + 1):
            q = base + per_w - db
            for cp in out_copies(q, (per_w - db) % _NBUF):
                cp.wait()

    return k


def kernel(frame_id, frame_mapping_inv, intrinsics):
    n_i, n_j = frame_id.shape
    nf = intrinsics.shape[0]
    fid_lin = (
        frame_id.T.reshape(n_j // 8, 8, n_i // 128, 128)
        .transpose(0, 2, 1, 3)
        .reshape(-1)
    )
    intr = intrinsics.reshape(nf * 4)
    x = _make_sc_gather(n_i, n_j, nf)(fid_lin, frame_mapping_inv, intr)
    out = (
        x.reshape(n_j, n_i // 128, 4, 128)
        .transpose(1, 3, 0, 2)
        .reshape(n_i, n_j, 4)
    )
    return out

# --- scband reference (transcript-rebuilt; emitter-appended) ---
"""Pipeline reference for scband-intrinsics-const-13280038880114 (READ-ONLY COPY).

The authoritative reference and input builder live on the scoring server;
editing this copy changes nothing except your own understanding.
"""

import jax, jax.numpy as jnp
import numpy as np

N_FRAMES = 32

def setup_inputs(seed: int = 0) -> dict:
    key = jax.random.key(seed)
    frame_id = jax.random.randint(key, (16384, 200), 0, N_FRAMES, dtype=jnp.int32)
    fx = 500.0 + jnp.arange(N_FRAMES, dtype=jnp.float32)
    intrinsics = jnp.stack([fx, fx, jnp.full((N_FRAMES,), 320.0, dtype=jnp.float32), jnp.full((N_FRAMES,), 240.0, dtype=jnp.float32)], axis=1)
    # frame_info is None in __init__, so frame_mapping = arange(N) and frame_mapping_inv = arange(N)
    frame_mapping = jnp.arange(N_FRAMES, dtype=jnp.int32)
    frame_mapping_inv = jnp.zeros((N_FRAMES,), dtype=jnp.int32).at[frame_mapping].set(jnp.arange(N_FRAMES, dtype=jnp.int32))
    return {"frame_id": frame_id, "frame_mapping_inv": frame_mapping_inv, "intrinsics": intrinsics}

def reference(frame_id, frame_mapping_inv, intrinsics):
    # get_vals: frame_id -> frame_mapping_inv[frame_id] -> intrinsics gather
    fid = jnp.take(frame_mapping_inv, frame_id, axis=0)
    out = jnp.take(intrinsics, fid, axis=0)
    return out

if __name__ == "__main__":
    import jax
    _d = setup_inputs()
    print(jax.jit(kernel)(*tuple(_d.values())))

</pallas_src>

<mosaic_0001>
#map = affine_map<(d0, d1) -> (0)>
#map1 = affine_map<(d0, d1) -> (0, 0, 0, 0)>
module attributes {stable_mosaic.version = 14 : i64} {
  func.func @k(%arg0: i32, %arg1: i32, %arg2: memref<3276800xi32, #tpu.memory_space<hbm>>, %arg3: memref<32xi32, #tpu.memory_space<hbm>>, %arg4: memref<128xf32, #tpu.memory_space<hbm>>, %arg5: memref<25x8x32x2048xf32, #tpu.memory_space<hbm>>, %arg6: memref<32xi32, #tpu.memory_space<vmem>>, %arg7: memref<128xf32, #tpu.memory_space<vmem>>, %arg8: memref<128xf32, #tpu.memory_space<vmem>>, %arg9: memref<3x4096xi32, #tpu.memory_space<vmem>>, %arg10: memref<3x8x2048xf32, #tpu.memory_space<vmem>>, %arg11: memref<!tpu.dma_semaphore, #tpu.memory_space<semaphore_mem>>, %arg12: memref<!tpu.dma_semaphore, #tpu.memory_space<semaphore_mem>>, %arg13: memref<!tpu.dma_semaphore, #tpu.memory_space<semaphore_mem>>, %arg14: memref<!tpu.dma_semaphore, #tpu.memory_space<semaphore_mem>>, %arg15: memref<!tpu.dma_semaphore, #tpu.memory_space<semaphore_mem>>, %arg16: memref<!tpu.dma_semaphore, #tpu.memory_space<semaphore_mem>>) attributes {dimension_semantics = [#tpu.dimension_semantics<core_parallel>, #tpu.dimension_semantics<subcore_parallel>], iteration_bounds = array<i64: 2, 16>, scalar_prefetch = 0 : i64, scratch_operands = 11 : i64, tpu.core_type = #tpu.core_type<sc_vector_subcore>, window_params = [{transform_indices = #map}, {transform_indices = #map}, {transform_indices = #map}, {transform_indices = #map1}]} {
    %mul3A = arith.constant 2 : i32
    %mul3A_0 = arith.muli %arg1, %mul3A : i32
    %add3A = arith.addi %mul3A_0, %arg0 : i32
    %mul3A_1 = arith.constant 25 : i32
    %mul3A_2 = arith.muli %add3A, %mul3A_1 : i32
    %iota3A = tpu.iota {dimensions = array<i32: 0>} : vector<16xi32>
    %mul3A_3 = arith.constant 4 : i32
    %mul3A_4 = vector.broadcast %mul3A_3 : i32 to vector<16xi32>
    %mul3A_5 = arith.muli %iota3A, %mul3A_4 : vector<16xi32>
    "tpu.region"() ({
      %run_scoped3A = tpu.sem_alloc : memref<!tpu.dma_semaphore, #tpu.memory_space<semaphore_mem>>
      tpu.enqueue_dma source(%arg3 : memref<32xi32, #tpu.memory_space<hbm>>) target(%arg6 : memref<32xi32, #tpu.memory_space<vmem>>) target_semaphore(%run_scoped3A : memref<!tpu.dma_semaphore, #tpu.memory_space<semaphore_mem>>)
      tpu.wait_dma2 semaphore(%run_scoped3A : memref<!tpu.dma_semaphore, #tpu.memory_space<semaphore_mem>>) src(%arg3 : memref<32xi32, #tpu.memory_space<hbm>>) dst(%arg6 : memref<32xi32, #tpu.memory_space<vmem>>)
      tpu.yield
    }) : () -> ()
    "tpu.region"() ({
      %run_scoped3A = tpu.sem_alloc : memref<!tpu.dma_semaphore, #tpu.memory_space<semaphore_mem>>
      tpu.enqueue_dma source(%arg4 : memref<128xf32, #tpu.memory_space<hbm>>) target(%arg7 : memref<128xf32, #tpu.memory_space<vmem>>) target_semaphore(%run_scoped3A : memref<!tpu.dma_semaphore, #tpu.memory_space<semaphore_mem>>)
      tpu.wait_dma2 semaphore(%run_scoped3A : memref<!tpu.dma_semaphore, #tpu.memory_space<semaphore_mem>>) src(%arg4 : memref<128xf32, #tpu.memory_space<hbm>>) dst(%arg7 : memref<128xf32, #tpu.memory_space<vmem>>)
      tpu.yield
    }) : () -> ()
    %get3A = arith.constant 0 : index
    %get3A_6 = tpu.vector_load %arg6[%get3A] {strides = array<i32>} : memref<32xi32, #tpu.memory_space<vmem>>, vector<16xi32>,
    %mul3A_7 = arith.constant 4 : i32
    %mul3A_8 = vector.broadcast %mul3A_7 : i32 to vector<16xi32>
    %mul3A_9 = arith.muli %get3A_6, %mul3A_8 : vector<16xi32>
    %add3A_10 = arith.constant 0 : i32
    %add3A_11 = vector.broadcast %add3A_10 : i32 to vector<16xi32>
    %add3A_12 = arith.addi %mul3A_9, %add3A_11 : vector<16xi32>
    %gather3A = tpu.vector_load_idx %arg7[%add3A_12] : memref<128xf32, #tpu.memory_space<vmem>>[vector<16xi32>], vector<16xf32>,
    %add3A_13 = arith.constant 0 : i32
    %add3A_14 = vector.broadcast %add3A_13 : i32 to vector<16xi32>
    %add3A_15 = arith.addi %mul3A_5, %add3A_14 : vector<16xi32>
    tpu.vector_store_idx %arg8[%add3A_15], %gather3A : memref<128xf32, #tpu.memory_space<vmem>>[vector<16xi32>], vector<16xf32>,
    %add3A_16 = arith.constant 1 : i32
    %add3A_17 = vector.broadcast %add3A_16 : i32 to vector<16xi32>
    %add3A_18 = arith.addi %mul3A_9, %add3A_17 : vector<16xi32>
    %gather3A_19 = tpu.vector_load_idx %arg7[%add3A_18] : memref<128xf32, #tpu.memory_space<vmem>>[vector<16xi32>], vector<16xf32>,
    %add3A_20 = arith.constant 1 : i32
    %add3A_21 = vector.broadcast %add3A_20 : i32 to vector<16xi32>
    %add3A_22 = arith.addi %mul3A_5, %add3A_21 : vector<16xi32>
    tpu.vector_store_idx %arg8[%add3A_22], %gather3A_19 : memref<128xf32, #tpu.memory_space<vmem>>[vector<16xi32>], vector<16xf32>,
    %add3A_23 = arith.constant 2 : i32
    %add3A_24 = vector.broadcast %add3A_23 : i32 to vector<16xi32>
    %add3A_25 = arith.addi %mul3A_9, %add3A_24 : vector<16xi32>
    %gather3A_26 = tpu.vector_load_idx %arg7[%add3A_25] : memref<128xf32, #tpu.memory_space<vmem>>[vector<16xi32>], vector<16xf32>,
    %add3A_27 = arith.constant 2 : i32
    %add3A_28 = vector.broadcast %add3A_27 : i32 to vector<16xi32>
    %add3A_29 = arith.addi %mul3A_5, %add3A_28 : vector<16xi32>
    tpu.vector_store_idx %arg8[%add3A_29], %gather3A_26 : memref<128xf32, #tpu.memory_space<vmem>>[vector<16xi32>], vector<16xf32>,
    %add3A_30 = arith.constant 3 : i32
    %add3A_31 = vector.broadcast %add3A_30 : i32 to vector<16xi32>
    %add3A_32 = arith.addi %mul3A_9, %add3A_31 : vector<16xi32>
    %gather3A_33 = tpu.vector_load_idx %arg7[%add3A_32] : memref<128xf32, #tpu.memory_space<vmem>>[vector<16xi32>], vector<16xf32>,
    %add3A_34 = arith.constant 3 : i32
    %add3A_35 = vector.broadcast %add3A_34 : i32 to vector<16xi32>
    %add3A_36 = arith.addi %mul3A_5, %add3A_35 : vector<16xi32>
    tpu.vector_store_idx %arg8[%add3A_36], %gather3A_33 : memref<128xf32, #tpu.memory_space<vmem>>[vector<16xi32>], vector<16xf32>,
    %get3A_37 = arith.constant 16 : index
    %get3A_38 = tpu.vector_load %arg6[%get3A_37] {strides = array<i32>} : memref<32xi32, #tpu.memory_space<vmem>>, vector<16xi32>,
    %mul3A_39 = arith.constant 4 : i32
    %mul3A_40 = vector.broadcast %mul3A_39 : i32 to vector<16xi32>
    %mul3A_41 = arith.muli %get3A_38, %mul3A_40 : vector<16xi32>
    %add3A_42 = arith.constant 0 : i32
    %add3A_43 = vector.broadcast %add3A_42 : i32 to vector<16xi32>
    %add3A_44 = arith.addi %mul3A_41, %add3A_43 : vector<16xi32>
    %gather3A_45 = tpu.vector_load_idx %arg7[%add3A_44] : memref<128xf32, #tpu.memory_space<vmem>>[vector<16xi32>], vector<16xf32>,
    %add3A_46 = arith.constant 64 : i32
    %add3A_47 = vector.broadcast %add3A_46 : i32 to vector<16xi32>
    %add3A_48 = arith.addi %mul3A_5, %add3A_47 : vector<16xi32>
    tpu.vector_store_idx %arg8[%add3A_48], %gather3A_45 : memref<128xf32, #tpu.memory_space<vmem>>[vector<16xi32>], vector<16xf32>,
    %add3A_49 = arith.constant 1 : i32
    %add3A_50 = vector.broadcast %add3A_49 : i32 to vector<16xi32>
    %add3A_51 = arith.addi %mul3A_41, %add3A_50 : vector<16xi32>
    %gather3A_52 = tpu.vector_load_idx %arg7[%add3A_51] : memref<128xf32, #tpu.memory_space<vmem>>[vector<16xi32>], vector<16xf32>,
    %add3A_53 = arith.constant 65 : i32
    %add3A_54 = vector.broadcast %add3A_53 : i32 to vector<16xi32>
    %add3A_55 = arith.addi %mul3A_5, %add3A_54 : vector<16xi32>
    tpu.vector_store_idx %arg8[%add3A_55], %gather3A_52 : memref<128xf32, #tpu.memory_space<vmem>>[vector<16xi32>], vector<16xf32>,
    %add3A_56 = arith.constant 2 : i32
    %add3A_57 = vector.broadcast %add3A_56 : i32 to vector<16xi32>
    %add3A_58 = arith.addi %mul3A_41, %add3A_57 : vector<16xi32>
    %gather3A_59 = tpu.vector_load_idx %arg7[%add3A_58] : memref<128xf32, #tpu.memory_space<vmem>>[vector<16xi32>], vector<16xf32>,
    %add3A_60 = arith.constant 66 : i32
    %add3A_61 = vector.broadcast %add3A_60 : i32 to vector<16xi32>
    %add3A_62 = arith.addi %mul3A_5, %add3A_61 : vector<16xi32>
    tpu.vector_store_idx %arg8[%add3A_62], %gather3A_59 : memref<128xf32, #tpu.memory_space<vmem>>[vector<16xi32>], vector<16xf32>,
    %add3A_63 = arith.constant 3 : i32
    %add3A_64 = vector.broadcast %add3A_63 : i32 to vector<16xi32>
    %add3A_65 = arith.addi %mul3A_41, %add3A_64 : vector<16xi32>
    %gather3A_66 = tpu.vector_load_idx %arg7[%add3A_65] : memref<128xf32, #tpu.memory_space<vmem>>[vector<16xi32>], vector<16xf32>,
    %add3A_67 = arith.constant 67 : i32
    %add3A_68 = vector.broadcast %add3A_67 : i32 to vector<16xi32>
    %add3A_69 = arith.addi %mul3A_5, %add3A_68 : vector<16xi32>
    tpu.vector_store_idx %arg8[%add3A_69], %gather3A_66 : memref<128xf32, #tpu.memory_space<vmem>>[vector<16xi32>], vector<16xf32>,
    %mul3A_70 = arith.constant 4096 : i32
    %mul3A_71 = arith.muli %mul3A_2, %mul3A_70 : i32
    %dma_start3A = arith.constant 0 : i32
    %dma_start3A_72 = arith.constant 0 : i32
    %dma_start3A_73 = tpu.memref_slice %arg9[%dma_start3A, %dma_start3A_72] : memref<3x4096xi32, #tpu.memory_space<vmem>> -> memref<1x4096xi32, #tpu.memory_space<vmem>>
    %dma_start3A_74 = tpu.memref_squeeze %dma_start3A_73 : memref<1x4096xi32, #tpu.memory_space<vmem>> -> memref<4096xi32, #tpu.memory_space<vmem>>
    %dma_start3A_75 = tpu.memref_slice %arg2[%mul3A_71] : memref<3276800xi32, #tpu.memory_space<hbm>> -> memref<4096xi32, #tpu.memory_space<hbm>>
    %dma_start3A_76 = arith.constant 0 : i32
    %dma_start3A_77 = tpu.memref_slice %arg9[%dma_start3A, %dma_start3A_76] : memref<3x4096xi32, #tpu.memory_space<vmem>> -> memref<1x4096xi32, #tpu.memory_space<vmem>>
    %dma_start3A_78 = tpu.memref_squeeze %dma_start3A_77 : memref<1x4096xi32, #tpu.memory_space<vmem>> -> memref<4096xi32, #tpu.memory_space<vmem>>
    %dma_start3A_79 = tpu.memref_slice %arg2[%mul3A_71] : memref<3276800xi32, #tpu.memory_space<hbm>> -> memref<4096xi32, #tpu.memory_space<hbm>>
    tpu.enqueue_dma source(%dma_start3A_79 : memref<4096xi32, #tpu.memory_space<hbm>>) target(%dma_start3A_78 : memref<4096xi32, #tpu.memory_space<vmem>>) target_semaphore(%arg11 : memref<!tpu.dma_semaphore, #tpu.memory_space<semaphore_mem>>)
    %add3A_80 = arith.constant 1 : i32
    %add3A_81 = arith.addi %mul3A_2, %add3A_80 : i32
    %mul3A_82 = arith.constant 4096 : i32
    %mul3A_83 = arith.muli %add3A_81, %mul3A_82 : i32
    %dma_start3A_84 = arith.constant 1 : i32
    %dma_start3A_85 = arith.constant 0 : i32
    %dma_start3A_86 = tpu.memref_slice %arg9[%dma_start3A_84, %dma_start3A_85] : memref<3x4096xi32, #tpu.memory_space<vmem>> -> memref<1x4096xi32, #tpu.memory_space<vmem>>
    %dma_start3A_87 = tpu.memref_squeeze %dma_start3A_86 : memref<1x4096xi32, #tpu.memory_space<vmem>> -> memref<4096xi32, #tpu.memory_space<vmem>>
    %dma_start3A_88 = tpu.memref_slice %arg2[%mul3A_83] : memref<3276800xi32, #tpu.memory_space<hbm>> -> memref<4096xi32, #tpu.memory_space<hbm>>
    %dma_start3A_89 = arith.constant 0 : i32
    %dma_start3A_90 = tpu.memref_slice %arg9[%dma_start3A_84, %dma_start3A_89] : memref<3x4096xi32, #tpu.memory_space<vmem>> -> memref<1x4096xi32, #tpu.memory_space<vmem>>
    %dma_start3A_91 = tpu.memref_squeeze %dma_start3A_90 : memref<1x4096xi32, #tpu.memory_space<vmem>> -> memref<4096xi32, #tpu.memory_space<vmem>>
    %dma_start3A_92 = tpu.memref_slice %arg2[%mul3A_83] : memref<3276800xi32, #tpu.memory_space<hbm>> -> memref<4096xi32, #tpu.memory_space<hbm>>
    tpu.enqueue_dma source(%dma_start3A_92 : memref<4096xi32, #tpu.memory_space<hbm>>) target(%dma_start3A_91 : memref<4096xi32, #tpu.memory_space<vmem>>) target_semaphore(%arg12 : memref<!tpu.dma_semaphore, #tpu.memory_space<semaphore_mem>>)
    %scan3A = arith.constant 0 : i32
    %scan3A_93 = arith.constant 0 : i32
    %scan3A_94 = arith.constant 8 : i32
    %scan3A_95 = arith.addi %scan3A_93, %scan3A_94 : i32
    %scan3A_96 = arith.constant 1 : i32
    scf.for %scan3A_355 = %scan3A_93 to %scan3A_95 step %scan3A_96  : i32 {
      %mul3A_356 = arith.constant 3 : i32
      %mul3A_357 = arith.muli %mul3A_356, %scan3A_355 : i32
      %add3A_358 = arith.addi %mul3A_2, %mul3A_357 : i32
      %add3A_359 = arith.constant 0 : i32
      %add3A_360 = arith.addi %add3A_358, %add3A_359 : i32
      %mul3A_361 = arith.constant 4096 : i32
      %mul3A_362 = arith.muli %add3A_360, %mul3A_361 : i32
      %dma_wait3A_363 = arith.constant 0 : i32
      %dma_wait3A_364 = arith.constant 0 : i32
      %dma_wait3A_365 = tpu.memref_slice %arg9[%dma_wait3A_363, %dma_wait3A_364] : memref<3x4096xi32, #tpu.memory_space<vmem>> -> memref<1x4096xi32, #tpu.memory_space<vmem>>
      %dma_wait3A_366 = tpu.memref_squeeze %dma_wait3A_365 : memref<1x4096xi32, #tpu.memory_space<vmem>> -> memref<4096xi32, #tpu.memory_space<vmem>>
      %dma_wait3A_367 = tpu.memref_slice %arg2[%mul3A_362] : memref<3276800xi32, #tpu.memory_space<hbm>> -> memref<4096xi32, #tpu.memory_space<hbm>>
      %dma_wait3A_368 = arith.constant 0 : i32
      %dma_wait3A_369 = tpu.memref_slice %arg9[%dma_wait3A_363, %dma_wait3A_368] : memref<3x4096xi32, #tpu.memory_space<vmem>> -> memref<1x4096xi32, #tpu.memory_space<vmem>>
      %dma_wait3A_370 = tpu.memref_squeeze %dma_wait3A_369 : memref<1x4096xi32, #tpu.memory_space<vmem>> -> memref<4096xi32, #tpu.memory_space<vmem>>
      %dma_wait3A_371 = tpu.memref_slice %arg2[%mul3A_362] : memref<3276800xi32, #tpu.memory_space<hbm>> -> memref<4096xi32, #tpu.memory_space<hbm>>
      tpu.wait_dma2 semaphore(%arg11 : memref<!tpu.dma_semaphore, #tpu.memory_space<semaphore_mem>>) src(%dma_wait3A_371 : memref<4096xi32, #tpu.memory_space<hbm>>) dst(%dma_wait3A_370 : memref<4096xi32, #tpu.memory_space<vmem>>)
      %add3A_372 = arith.constant 3 : i32
      %add3A_373 = arith.addi %mul3A_2, %add3A_372 : i32
      %ge3A_374 = arith.cmpi sge, %add3A_360, %add3A_373 : i32
      %convert_element_type3A_375 = arith.extui %ge3A_374 : i1 to i32
      %cond3A_376 = arith.constant 0 : i32
      %cond3A_377 = arith.cmpi ne, %convert_element_type3A_375, %cond3A_376 : i32
      scf.if %cond3A_377 {
        %jit3A_620 = arith.constant 32 : i32
        %div3A_621 = arith.divsi %add3A_360, %jit3A_620 : i32
        %sign3A_622 = arith.constant 0 : i32
        %sign3A_623 = arith.cmpi sgt, %add3A_360, %sign3A_622 : i32
        %sign3A_624 = arith.extui %sign3A_623 : i1 to i32
        %sign3A_625 = arith.constant 0 : i32
        %sign3A_626 = arith.cmpi slt, %add3A_360, %sign3A_625 : i32
        %sign3A_627 = arith.extui %sign3A_626 : i1 to i32
        %sign3A_628 = arith.subi %sign3A_624, %sign3A_627 : i32
        %sign3A_629 = arith.constant 0 : i32
        %sign3A_630 = arith.cmpi sgt, %jit3A_620, %sign3A_629 : i32
        %sign3A_631 = arith.extui %sign3A_630 : i1 to i32
        %sign3A_632 = arith.constant 0 : i32
        %sign3A_633 = arith.cmpi slt, %jit3A_620, %sign3A_632 : i32
        %sign3A_634 = arith.extui %sign3A_633 : i1 to i32
        %sign3A_635 = arith.subi %sign3A_631, %sign3A_634 : i32
        %ne3A_636 = arith.cmpi ne, %sign3A_628, %sign3A_635 : i32
        %rem3A_637 = arith.remsi %add3A_360, %jit3A_620 : i32
        %ne3A_638 = arith.constant 0 : i32
        %ne3A_639 = arith.cmpi ne, %rem3A_637, %ne3A_638 : i32
        %and3A_640 = arith.andi %ne3A_636, %ne3A_639 : i1
        %sub3A_641 = arith.constant 1 : i32
        %sub3A_642 = arith.subi %div3A_621, %sub3A_641 : i32
        %select_n3A_643 = arith.select %and3A_640, %sub3A_642, %div3A_621 : i32
        %jit3A_644 = arith.constant 32 : i32
        %eq3A_645 = arith.constant 0 : i32
        %eq3A_646 = arith.cmpi eq, %jit3A_644, %eq3A_645 : i32
        %jit3A_647 = arith.constant 1 : i32
        %select_n3A_648 = arith.select %eq3A_646, %jit3A_647, %jit3A_644 : i32
        %rem3A_649 = arith.remsi %add3A_360, %select_n3A_648 : i32
        %ne3A_650 = arith.constant 0 : i32
        %ne3A_651 = arith.cmpi ne, %rem3A_649, %ne3A_650 : i32
        %lt3A_652 = arith.constant 0 : i32
        %lt3A_653 = arith.cmpi slt, %rem3A_649, %lt3A_652 : i32
        %lt3A_654 = arith.constant 0 : i32
        %lt3A_655 = arith.cmpi slt, %select_n3A_648, %lt3A_654 : i32
        %ne3A_656 = arith.xori %lt3A_653, %lt3A_655 : i1
        %and3A_657 = arith.andi %ne3A_656, %ne3A_651 : i1
        %add3A_658 = arith.addi %rem3A_649, %select_n3A_648 : i32
        %select_n3A_659 = arith.select %and3A_657, %add3A_658, %rem3A_649 : i32
        %dma_wait3A_660 = arith.constant 0 : i32
        %dma_wait3A_661 = arith.constant 0 : i32
        %dma_wait3A_662 = arith.constant 0 : i32
        %dma_wait3A_663 = tpu.memref_slice %arg10[%dma_wait3A_660, %dma_wait3A_661, %dma_wait3A_662] : memref<3x8x2048xf32, #tpu.memory_space<vmem>> -> memref<1x8x2048xf32, #tpu.memory_space<vmem>>
        %dma_wait3A_664 = tpu.memref_squeeze %dma_wait3A_663 : memref<1x8x2048xf32, #tpu.memory_space<vmem>> -> memref<8x2048xf32, #tpu.memory_space<vmem>>
        %dma_wait3A_665 = arith.constant 0 : i32
        %dma_wait3A_666 = arith.constant 0 : i32
        %dma_wait3A_667 = tpu.memref_slice %arg5[%select_n3A_643, %dma_wait3A_665, %select_n3A_659, %dma_wait3A_666] : memref<25x8x32x2048xf32, #tpu.memory_space<hbm>> -> memref<1x8x1x2048xf32, #tpu.memory_space<hbm>>
        %dma_wait3A_668 = tpu.memref_squeeze %dma_wait3A_667 : memref<1x8x1x2048xf32, #tpu.memory_space<hbm>> -> memref<8x2048xf32, #tpu.memory_space<hbm>>
        %dma_wait3A_669 = arith.constant 0 : i32
        %dma_wait3A_670 = arith.constant 0 : i32
        %dma_wait3A_671 = tpu.memref_slice %arg5[%select_n3A_643, %dma_wait3A_669, %select_n3A_659, %dma_wait3A_670] : memref<25x8x32x2048xf32, #tpu.memory_space<hbm>> -> memref<1x8x1x2048xf32, #tpu.memory_space<hbm>>
        %dma_wait3A_672 = tpu.memref_squeeze %dma_wait3A_671 : memref<1x8x1x2048xf32, #tpu.memory_space<hbm>> -> memref<8x2048xf32, #tpu.memory_space<hbm>>
        %dma_wait3A_673 = arith.constant 0 : i32
        %dma_wait3A_674 = arith.constant 0 : i32
        %dma_wait3A_675 = tpu.memref_slice %arg10[%dma_wait3A_660, %dma_wait3A_673, %dma_wait3A_674] : memref<3x8x2048xf32, #tpu.memory_space<vmem>> -> memref<1x8x2048xf32, #tpu.memory_space<vmem>>
        %dma_wait3A_676 = tpu.memref_squeeze %dma_wait3A_675 : memref<1x8x2048xf32, #tpu.memory_space<vmem>> -> memref<8x2048xf32, #tpu.memory_space<vmem>>
        tpu.wait_dma2 semaphore(%arg14 : memref<!tpu.dma_semaphore, #tpu.memory_space<semaphore_mem>>) src(%dma_wait3A_676 : memref<8x2048xf32, #tpu.memory_space<vmem>>) dst(%dma_wait3A_672 : memref<8x2048xf32, #tpu.memory_space<hbm>>)
      } else {
      }
      %parallel_loop3A_378 = arith.constant 0 : i32
      %parallel_loop3A_379 = arith.constant 256 : i32
      %parallel_loop3A_380 = arith.constant 1 : i32
      scf.for %parallel_loop3A_620 = %parallel_loop3A_378 to %parallel_loop3A_379 step %parallel_loop3A_380  : i32 {
        %parallel_loop3A_621 = arith.constant 5 : i32
        %parallel_loop3A_622 = arith.shrsi %parallel_loop3A_620, %parallel_loop3A_621 : i32
        %parallel_loop3A_623 = arith.constant 3 : i32
        %parallel_loop3A_624 = arith.shrsi %parallel_loop3A_620, %parallel_loop3A_623 : i32
        %parallel_loop3A_625 = arith.constant 3 : i32
        %parallel_loop3A_626 = arith.andi %parallel_loop3A_624, %parallel_loop3A_625 : i32
        %parallel_loop3A_627 = arith.constant 7 : i32
        %parallel_loop3A_628 = arith.andi %parallel_loop3A_620, %parallel_loop3A_627 : i32
        %parallel_loop3A_629 = arith.constant 1024 : i32
        %parallel_loop3A_630 = arith.muli %parallel_loop3A_626, %parallel_loop3A_629 : i32
        %parallel_loop3A_631 = arith.constant 128 : i32
        %parallel_loop3A_632 = arith.muli %parallel_loop3A_622, %parallel_loop3A_631 : i32
        %parallel_loop3A_633 = arith.addi %parallel_loop3A_630, %parallel_loop3A_632 : i32
        %parallel_loop3A_634 = arith.constant 16 : i32
        %parallel_loop3A_635 = arith.muli %parallel_loop3A_628, %parallel_loop3A_634 : i32
        %parallel_loop3A_636 = arith.addi %parallel_loop3A_633, %parallel_loop3A_635 : i32
        %parallel_loop3A_637 = arith.constant 0 : i32
        %parallel_loop3A_638 = arith.index_cast %parallel_loop3A_637 : i32 to index
        %parallel_loop3A_639 = arith.index_cast %parallel_loop3A_636 : i32 to index
        %parallel_loop3A_640 = tpu.vector_load %arg9[%parallel_loop3A_638, %parallel_loop3A_639] {strides = array<i32>} : memref<3x4096xi32, #tpu.memory_space<vmem>>, vector<16xi32>,
        %parallel_loop3A_641 = arith.constant 4 : i32
        %parallel_loop3A_642 = vector.broadcast %parallel_loop3A_641 : i32 to vector<16xi32>
        %parallel_loop3A_643 = arith.muli %parallel_loop3A_640, %parallel_loop3A_642 : vector<16xi32>
        %parallel_loop3A_644 = arith.constant 512 : i32
        %parallel_loop3A_645 = arith.muli %parallel_loop3A_626, %parallel_loop3A_644 : i32
        %parallel_loop3A_646 = arith.constant 16 : i32
        %parallel_loop3A_647 = arith.muli %parallel_loop3A_628, %parallel_loop3A_646 : i32
        %parallel_loop3A_648 = arith.addi %parallel_loop3A_645, %parallel_loop3A_647 : i32
        %parallel_loop3A_649 = arith.constant 0 : i32
        %parallel_loop3A_650 = vector.broadcast %parallel_loop3A_649 : i32 to vector<16xi32>
        %parallel_loop3A_651 = arith.addi %parallel_loop3A_643, %parallel_loop3A_650 : vector<16xi32>
        %parallel_loop3A_652 = tpu.vector_load_idx %arg8[%parallel_loop3A_651] : memref<128xf32, #tpu.memory_space<vmem>>[vector<16xi32>], vector<16xf32>,
        %parallel_loop3A_653 = arith.constant 0 : i32
        %parallel_loop3A_654 = arith.addi %parallel_loop3A_648, %parallel_loop3A_653 : i32
        %parallel_loop3A_655 = arith.constant 0 : i32
        %parallel_loop3A_656 = arith.index_cast %parallel_loop3A_655 : i32 to index
        %parallel_loop3A_657 = arith.index_cast %parallel_loop3A_622 : i32 to index
        %parallel_loop3A_658 = arith.index_cast %parallel_loop3A_654 : i32 to index
        %parallel_loop3A_659 = tpu.vector_load %arg10[%parallel_loop3A_656, %parallel_loop3A_657, %parallel_loop3A_658] {strides = array<i32>} : memref<3x8x2048xf32, #tpu.memory_space<vmem>>, vector<16xf32>,
        tpu.vector_store %arg10[%parallel_loop3A_656, %parallel_loop3A_657, %parallel_loop3A_658], %parallel_loop3A_652 {strides = array<i32>} : memref<3x8x2048xf32, #tpu.memory_space<vmem>>, vector<16xf32>,
        %parallel_loop3A_660 = arith.constant 1 : i32
        %parallel_loop3A_661 = vector.broadcast %parallel_loop3A_660 : i32 to vector<16xi32>
        %parallel_loop3A_662 = arith.addi %parallel_loop3A_643, %parallel_loop3A_661 : vector<16xi32>
        %parallel_loop3A_663 = tpu.vector_load_idx %arg8[%parallel_loop3A_662] : memref<128xf32, #tpu.memory_space<vmem>>[vector<16xi32>], vector<16xf32>,
        %parallel_loop3A_664 = arith.constant 128 : i32
        %parallel_loop3A_665 = arith.addi %parallel_loop3A_648, %parallel_loop3A_664 : i32
        %parallel_loop3A_666 = arith.constant 0 : i32
        %parallel_loop3A_667 = arith.index_cast %parallel_loop3A_666 : i32 to index
        %parallel_loop3A_668 = arith.index_cast %parallel_loop3A_622 : i32 to index
        %parallel_loop3A_669 = arith.index_cast %parallel_loop3A_665 : i32 to index
        %parallel_loop3A_670 = tpu.vector_load %arg10[%parallel_loop3A_667, %parallel_loop3A_668, %parallel_loop3A_669] {strides = array<i32>} : memref<3x8x2048xf32, #tpu.memory_space<vmem>>, vector<16xf32>,
        tpu.vector_store %arg10[%parallel_loop3A_667, %parallel_loop3A_668, %parallel_loop3A_669], %parallel_loop3A_663 {strides = array<i32>} : memref<3x8x2048xf32, #tpu.memory_space<vmem>>, vector<16xf32>,
        %parallel_loop3A_671 = arith.constant 2 : i32
        %parallel_loop3A_672 = vector.broadcast %parallel_loop3A_671 : i32 to vector<16xi32>
        %parallel_loop3A_673 = arith.addi %parallel_loop3A_643, %parallel_loop3A_672 : vector<16xi32>
        %parallel_loop3A_674 = tpu.vector_load_idx %arg8[%parallel_loop3A_673] : memref<128xf32, #tpu.memory_space<vmem>>[vector<16xi32>], vector<16xf32>,
        %parallel_loop3A_675 = arith.constant 256 : i32
        %parallel_loop3A_676 = arith.addi %parallel_loop3A_648, %parallel_loop3A_675 : i32
        %parallel_loop3A_677 = arith.constant 0 : i32
        %parallel_loop3A_678 = arith.index_cast %parallel_loop3A_677 : i32 to index
        %parallel_loop3A_679 = arith.index_cast %parallel_loop3A_622 : i32 to index
        %parallel_loop3A_680 = arith.index_cast %parallel_loop3A_676 : i32 to index
        %parallel_loop3A_681 = tpu.vector_load %arg10[%parallel_loop3A_678, %parallel_loop3A_679, %parallel_loop3A_680] {strides = array<i32>} : memref<3x8x2048xf32, #tpu.memory_space<vmem>>, vector<16xf32>,
        tpu.vector_store %arg10[%parallel_loop3A_678, %parallel_loop3A_679, %parallel_loop3A_680], %parallel_loop3A_674 {strides = array<i32>} : memref<3x8x2048xf32, #tpu.memory_space<vmem>>, vector<16xf32>,
        %parallel_loop3A_682 = arith.constant 3 : i32
        %parallel_loop3A_683 = vector.broadcast %parallel_loop3A_682 : i32 to vector<16xi32>
        %parallel_loop3A_684 = arith.addi %parallel_loop3A_643, %parallel_loop3A_683 : vector<16xi32>
        %parallel_loop3A_685 = tpu.vector_load_idx %arg8[%parallel_loop3A_684] : memref<128xf32, #tpu.memory_space<vmem>>[vector<16xi32>], vector<16xf32>,
        %parallel_loop3A_686 = arith.constant 384 : i32
        %parallel_loop3A_687 = arith.addi %parallel_loop3A_648, %parallel_loop3A_686 : i32
        %parallel_loop3A_688 = arith.constant 0 : i32
        %parallel_loop3A_689 = arith.index_cast %parallel_loop3A_688 : i32 to index
        %parallel_loop3A_690 = arith.index_cast %parallel_loop3A_622 : i32 to index
        %parallel_loop3A_691 = arith.index_cast %parallel_loop3A_687 : i32 to index
        %parallel_loop3A_692 = tpu.vector_load %arg10[%parallel_loop3A_689, %parallel_loop3A_690, %parallel_loop3A_691] {strides = array<i32>} : memref<3x8x2048xf32, #tpu.memory_space<vmem>>, vector<16xf32>,
        tpu.vector_store %arg10[%parallel_loop3A_689, %parallel_loop3A_690, %parallel_loop3A_691], %parallel_loop3A_685 {strides = array<i32>} : memref<3x8x2048xf32, #tpu.memory_space<vmem>>, vector<16xf32>,
      } {sc.loop_unroll_factor = 4 : i64, sc.parallel_access}
      %jit3A_381 = arith.constant 32 : i32
      %div3A_382 = arith.divsi %add3A_360, %jit3A_381 : i32
      %sign3A_383 = arith.constant 0 : i32
      %sign3A_384 = arith.cmpi sgt, %add3A_360, %sign3A_383 : i32
      %sign3A_385 = arith.extui %sign3A_384 : i1 to i32
      %sign3A_386 = arith.constant 0 : i32
      %sign3A_387 = arith.cmpi slt, %add3A_360, %sign3A_386 : i32
      %sign3A_388 = arith.extui %sign3A_387 : i1 to i32
      %sign3A_389 = arith.subi %sign3A_385, %sign3A_388 : i32
      %sign3A_390 = arith.constant 0 : i32
      %sign3A_391 = arith.cmpi sgt, %jit3A_381, %sign3A_390 : i32
      %sign3A_392 = arith.extui %sign3A_391 : i1 to i32
      %sign3A_393 = arith.constant 0 : i32
      %sign3A_394 = arith.cmpi slt, %jit3A_381, %sign3A_393 : i32
      %sign3A_395 = arith.extui %sign3A_394 : i1 to i32
      %sign3A_396 = arith.subi %sign3A_392, %sign3A_395 : i32
      %ne3A_397 = arith.cmpi ne, %sign3A_389, %sign3A_396 : i32
      %rem3A_398 = arith.remsi %add3A_360, %jit3A_381 : i32
      %ne3A_399 = arith.constant 0 : i32
      %ne3A_400 = arith.cmpi ne, %rem3A_398, %ne3A_399 : i32
      %and3A_401 = arith.andi %ne3A_397, %ne3A_400 : i1
      %sub3A_402 = arith.constant 1 : i32
      %sub3A_403 = arith.subi %div3A_382, %sub3A_402 : i32
      %select_n3A_404 = arith.select %and3A_401, %sub3A_403, %div3A_382 : i32
      %jit3A_405 = arith.constant 32 : i32
      %eq3A_406 = arith.constant 0 : i32
      %eq3A_407 = arith.cmpi eq, %jit3A_405, %eq3A_406 : i32
      %jit3A_408 = arith.constant 1 : i32
      %select_n3A_409 = arith.select %eq3A_407, %jit3A_408, %jit3A_405 : i32
      %rem3A_410 = arith.remsi %add3A_360, %select_n3A_409 : i32
      %ne3A_411 = arith.constant 0 : i32
      %ne3A_412 = arith.cmpi ne, %rem3A_410, %ne3A_411 : i32
      %lt3A_413 = arith.constant 0 : i32
      %lt3A_414 = arith.cmpi slt, %rem3A_410, %lt3A_413 : i32
      %lt3A_415 = arith.constant 0 : i32
      %lt3A_416 = arith.cmpi slt, %select_n3A_409, %lt3A_415 : i32
      %ne3A_417 = arith.xori %lt3A_414, %lt3A_416 : i1
      %and3A_418 = arith.andi %ne3A_417, %ne3A_412 : i1
      %add3A_419 = arith.addi %rem3A_410, %select_n3A_409 : i32
      %select_n3A_420 = arith.select %and3A_418, %add3A_419, %rem3A_410 : i32
      %dma_start3A_421 = arith.constant 0 : i32
      %dma_start3A_422 = arith.constant 0 : i32
      %dma_start3A_423 = arith.constant 0 : i32
      %dma_start3A_424 = tpu.memref_slice %arg10[%dma_start3A_421, %dma_start3A_422, %dma_start3A_423] : memref<3x8x2048xf32, #tpu.memory_space<vmem>> -> memref<1x8x2048xf32, #tpu.memory_space<vmem>>
      %dma_start3A_425 = tpu.memref_squeeze %dma_start3A_424 : memref<1x8x2048xf32, #tpu.memory_space<vmem>> -> memref<8x2048xf32, #tpu.memory_space<vmem>>
      %dma_start3A_426 = arith.constant 0 : i32
      %dma_start3A_427 = arith.constant 0 : i32
      %dma_start3A_428 = tpu.memref_slice %arg5[%select_n3A_404, %dma_start3A_426, %select_n3A_420, %dma_start3A_427] : memref<25x8x32x2048xf32, #tpu.memory_space<hbm>> -> memref<1x8x1x2048xf32, #tpu.memory_space<hbm>>
      %dma_start3A_429 = tpu.memref_squeeze %dma_start3A_428 : memref<1x8x1x2048xf32, #tpu.memory_space<hbm>> -> memref<8x2048xf32, #tpu.memory_space<hbm>>
      %dma_start3A_430 = arith.constant 0 : i32
      %dma_start3A_431 = arith.constant 0 : i32
      %dma_start3A_432 = tpu.memref_slice %arg5[%select_n3A_404, %dma_start3A_430, %select_n3A_420, %dma_start3A_431] : memref<25x8x32x2048xf32, #tpu.memory_space<hbm>> -> memref<1x8x1x2048xf32, #tpu.memory_space<hbm>>
      %dma_start3A_433 = tpu.memref_squeeze %dma_start3A_432 : memref<1x8x1x2048xf32, #tpu.memory_space<hbm>> -> memref<8x2048xf32, #tpu.memory_space<hbm>>
      %dma_start3A_434 = arith.constant 0 : i32
      %dma_start3A_435 = arith.constant 0 : i32
      %dma_start3A_436 = tpu.memref_slice %arg10[%dma_start3A_421, %dma_start3A_434, %dma_start3A_435] : memref<3x8x2048xf32, #tpu.memory_space<vmem>> -> memref<1x8x2048xf32, #tpu.memory_space<vmem>>
      %dma_start3A_437 = tpu.memref_squeeze %dma_start3A_436 : memref<1x8x2048xf32, #tpu.memory_space<vmem>> -> memref<8x2048xf32, #tpu.memory_space<vmem>>
      tpu.enqueue_dma source(%dma_start3A_437 : memref<8x2048xf32, #tpu.memory_space<vmem>>) target(%dma_start3A_433 : memref<8x2048xf32, #tpu.memory_space<hbm>>) target_semaphore(%arg14 : memref<!tpu.dma_semaphore, #tpu.memory_space<semaphore_mem>>)
      %add3A_438 = arith.constant 2 : i32
      %add3A_439 = arith.addi %add3A_360, %add3A_438 : i32
      %add3A_440 = arith.constant 25 : i32
      %add3A_441 = arith.addi %mul3A_2, %add3A_440 : i32
      %lt3A_442 = arith.cmpi slt, %add3A_439, %add3A_441 : i32
      %convert_element_type3A_443 = arith.extui %lt3A_442 : i1 to i32
      %cond3A_444 = arith.constant 0 : i32
      %cond3A_445 = arith.cmpi ne, %convert_element_type3A_443, %cond3A_444 : i32
      scf.if %cond3A_445 {
        %add3A_620 = arith.constant 2 : i32
        %add3A_621 = arith.addi %add3A_360, %add3A_620 : i32
        %mul3A_622 = arith.constant 4096 : i32
        %mul3A_623 = arith.muli %add3A_621, %mul3A_622 : i32
        %dma_start3A_624 = arith.constant 2 : i32
        %dma_start3A_625 = arith.constant 0 : i32
        %dma_start3A_626 = tpu.memref_slice %arg9[%dma_start3A_624, %dma_start3A_625] : memref<3x4096xi32, #tpu.memory_space<vmem>> -> memref<1x4096xi32, #tpu.memory_space<vmem>>
        %dma_start3A_627 = tpu.memref_squeeze %dma_start3A_626 : memref<1x4096xi32, #tpu.memory_space<vmem>> -> memref<4096xi32, #tpu.memory_space<vmem>>
        %dma_start3A_628 = tpu.memref_slice %arg2[%mul3A_623] : memref<3276800xi32, #tpu.memory_space<hbm>> -> memref<4096xi32, #tpu.memory_space<hbm>>
        %dma_start3A_629 = arith.constant 0 : i32
        %dma_start3A_630 = tpu.memref_slice %arg9[%dma_start3A_624, %dma_start3A_629] : memref<3x4096xi32, #tpu.memory_space<vmem>> -> memref<1x4096xi32, #tpu.memory_space<vmem>>
        %dma_start3A_631 = tpu.memref_squeeze %dma_start3A_630 : memref<1x4096xi32, #tpu.memory_space<vmem>> -> memref<4096xi32, #tpu.memory_space<vmem>>
        %dma_start3A_632 = tpu.memref_slice %arg2[%mul3A_623] : memref<3276800xi32, #tpu.memory_space<hbm>> -> memref<4096xi32, #tpu.memory_space<hbm>>
        tpu.enqueue_dma source(%dma_start3A_632 : memref<4096xi32, #tpu.memory_space<hbm>>) target(%dma_start3A_631 : memref<4096xi32, #tpu.memory_space<vmem>>) target_semaphore(%arg13 : memref<!tpu.dma_semaphore, #tpu.memory_space<semaphore_mem>>)
      } else {
      }
      %add3A_446 = arith.constant 1 : i32
      %add3A_447 = arith.addi %add3A_358, %add3A_446 : i32
      %mul3A_448 = arith.constant 4096 : i32
      %mul3A_449 = arith.muli %add3A_447, %mul3A_448 : i32
      %dma_wait3A_450 = arith.constant 1 : i32
      %dma_wait3A_451 = arith.constant 0 : i32
      %dma_wait3A_452 = tpu.memref_slice %arg9[%dma_wait3A_450, %dma_wait3A_451] : memref<3x4096xi32, #tpu.memory_space<vmem>> -> memref<1x4096xi32, #tpu.memory_space<vmem>>
      %dma_wait3A_453 = tpu.memref_squeeze %dma_wait3A_452 : memref<1x4096xi32, #tpu.memory_space<vmem>> -> memref<4096xi32, #tpu.memory_space<vmem>>
      %dma_wait3A_454 = tpu.memref_slice %arg2[%mul3A_449] : memref<3276800xi32, #tpu.memory_space<hbm>> -> memref<4096xi32, #tpu.memory_space<hbm>>
      %dma_wait3A_455 = arith.constant 0 : i32
      %dma_wait3A_456 = tpu.memref_slice %arg9[%dma_wait3A_450, %dma_wait3A_455] : memref<3x4096xi32, #tpu.memory_space<vmem>> -> memref<1x4096xi32, #tpu.memory_space<vmem>>
      %dma_wait3A_457 = tpu.memref_squeeze %dma_wait3A_456 : memref<1x4096xi32, #tpu.memory_space<vmem>> -> memref<4096xi32, #tpu.memory_space<vmem>>
      %dma_wait3A_458 = tpu.memref_slice %arg2[%mul3A_449] : memref<3276800xi32, #tpu.memory_space<hbm>> -> memref<4096xi32, #tpu.memory_space<hbm>>
      tpu.wait_dma2 semaphore(%arg12 : memref<!tpu.dma_semaphore, #tpu.memory_space<semaphore_mem>>) src(%dma_wait3A_458 : memref<4096xi32, #tpu.memory_space<hbm>>) dst(%dma_wait3A_457 : memref<4096xi32, #tpu.memory_space<vmem>>)
      %add3A_459 = arith.constant 3 : i32
      %add3A_460 = arith.addi %mul3A_2, %add3A_459 : i32
      %ge3A_461 = arith.cmpi sge, %add3A_447, %add3A_460 : i32
      %convert_element_type3A_462 = arith.extui %ge3A_461 : i1 to i32
      %cond3A_463 = arith.constant 0 : i32
      %cond3A_464 = arith.cmpi ne, %convert_element_type3A_462, %cond3A_463 : i32
      scf.if %cond3A_464 {
        %jit3A_620 = arith.constant 32 : i32
        %div3A_621 = arith.divsi %add3A_447, %jit3A_620 : i32
        %sign3A_622 = arith.constant 0 : i32
        %sign3A_623 = arith.cmpi sgt, %add3A_447, %sign3A_622 : i32
        %sign3A_624 = arith.extui %sign3A_623 : i1 to i32
        %sign3A_625 = arith.constant 0 : i32
        %sign3A_626 = arith.cmpi slt, %add3A_447, %sign3A_625 : i32
        %sign3A_627 = arith.extui %sign3A_626 : i1 to i32
        %sign3A_628 = arith.subi %sign3A_624, %sign3A_627 : i32
        %sign3A_629 = arith.constant 0 : i32
        %sign3A_630 = arith.cmpi sgt, %jit3A_620, %sign3A_629 : i32
        %sign3A_631 = arith.extui %sign3A_630 : i1 to i32
        %sign3A_632 = arith.constant 0 : i32
        %sign3A_633 = arith.cmpi slt, %jit3A_620, %sign3A_632 : i32
        %sign3A_634 = arith.extui %sign3A_633 : i1 to i32
        %sign3A_635 = arith.subi %sign3A_631, %sign3A_634 : i32
        %ne3A_636 = arith.cmpi ne, %sign3A_628, %sign3A_635 : i32
        %rem3A_637 = arith.remsi %add3A_447, %jit3A_620 : i32
        %ne3A_638 = arith.constant 0 : i32
        %ne3A_639 = arith.cmpi ne, %rem3A_637, %ne3A_638 : i32
        %and3A_640 = arith.andi %ne3A_636, %ne3A_639 : i1
        %sub3A_641 = arith.constant 1 : i32
        %sub3A_642 = arith.subi %div3A_621, %sub3A_641 : i32
        %select_n3A_643 = arith.select %and3A_640, %sub3A_642, %div3A_621 : i32
        %jit3A_644 = arith.constant 32 : i32
        %eq3A_645 = arith.constant 0 : i32
        %eq3A_646 = arith.cmpi eq, %jit3A_644, %eq3A_645 : i32
        %jit3A_647 = arith.constant 1 : i32
        %select_n3A_648 = arith.select %eq3A_646, %jit3A_647, %jit3A_644 : i32
        %rem3A_649 = arith.remsi %add3A_447, %select_n3A_648 : i32
        %ne3A_650 = arith.constant 0 : i32
        %ne3A_651 = arith.cmpi ne, %rem3A_649, %ne3A_650 : i32
        %lt3A_652 = arith.constant 0 : i32
        %lt3A_653 = arith.cmpi slt, %rem3A_649, %lt3A_652 : i32
        %lt3A_654 = arith.constant 0 : i32
        %lt3A_655 = arith.cmpi slt, %select_n3A_648, %lt3A_654 : i32
        %ne3A_656 = arith.xori %lt3A_653, %lt3A_655 : i1
        %and3A_657 = arith.andi %ne3A_656, %ne3A_651 : i1
        %add3A_658 = arith.addi %rem3A_649, %select_n3A_648 : i32
        %select_n3A_659 = arith.select %and3A_657, %add3A_658, %rem3A_649 : i32
        %dma_wait3A_660 = arith.constant 1 : i32
        %dma_wait3A_661 = arith.constant 0 : i32
        %dma_wait3A_662 = arith.constant 0 : i32
        %dma_wait3A_663 = tpu.memref_slice %arg10[%dma_wait3A_660, %dma_wait3A_661, %dma_wait3A_662] : memref<3x8x2048xf32, #tpu.memory_space<vmem>> -> memref<1x8x2048xf32, #tpu.memory_space<vmem>>
        %dma_wait3A_664 = tpu.memref_squeeze %dma_wait3A_663 : memref<1x8x2048xf32, #tpu.memory_space<vmem>> -> memref<8x2048xf32, #tpu.memory_space<vmem>>
        %dma_wait3A_665 = arith.constant 0 : i32
        %dma_wait3A_666 = arith.constant 0 : i32
        %dma_wait3A_667 = tpu.memref_slice %arg5[%select_n3A_643, %dma_wait3A_665, %select_n3A_659, %dma_wait3A_666] : memref<25x8x32x2048xf32, #tpu.memory_space<hbm>> -> memref<1x8x1x2048xf32, #tpu.memory_space<hbm>>
        %dma_wait3A_668 = tpu.memref_squeeze %dma_wait3A_667 : memref<1x8x1x2048xf32, #tpu.memory_space<hbm>> -> memref<8x2048xf32, #tpu.memory_space<hbm>>
        %dma_wait3A_669 = arith.constant 0 : i32
        %dma_wait3A_670 = arith.constant 0 : i32
        %dma_wait3A_671 = tpu.memref_slice %arg5[%select_n3A_643, %dma_wait3A_669, %select_n3A_659, %dma_wait3A_670] : memref<25x8x32x2048xf32, #tpu.memory_space<hbm>> -> memref<1x8x1x2048xf32, #tpu.memory_space<hbm>>
        %dma_wait3A_672 = tpu.memref_squeeze %dma_wait3A_671 : memref<1x8x1x2048xf32, #tpu.memory_space<hbm>> -> memref<8x2048xf32, #tpu.memory_space<hbm>>
        %dma_wait3A_673 = arith.constant 0 : i32
        %dma_wait3A_674 = arith.constant 0 : i32
        %dma_wait3A_675 = tpu.memref_slice %arg10[%dma_wait3A_660, %dma_wait3A_673, %dma_wait3A_674] : memref<3x8x2048xf32, #tpu.memory_space<vmem>> -> memref<1x8x2048xf32, #tpu.memory_space<vmem>>
        %dma_wait3A_676 = tpu.memref_squeeze %dma_wait3A_675 : memref<1x8x2048xf32, #tpu.memory_space<vmem>> -> memref<8x2048xf32, #tpu.memory_space<vmem>>
        tpu.wait_dma2 semaphore(%arg15 : memref<!tpu.dma_semaphore, #tpu.memory_space<semaphore_mem>>) src(%dma_wait3A_676 : memref<8x2048xf32, #tpu.memory_space<vmem>>) dst(%dma_wait3A_672 : memref<8x2048xf32, #tpu.memory_space<hbm>>)
      } else {
      }
      %parallel_loop3A_465 = arith.constant 0 : i32
      %parallel_loop3A_466 = arith.constant 256 : i32
      %parallel_loop3A_467 = arith.constant 1 : i32
      scf.for %parallel_loop3A_620 = %parallel_loop3A_465 to %parallel_loop3A_466 step %parallel_loop3A_467  : i32 {
        %parallel_loop3A_621 = arith.constant 5 : i32
        %parallel_loop3A_622 = arith.shrsi %parallel_loop3A_620, %parallel_loop3A_621 : i32
        %parallel_loop3A_623 = arith.constant 3 : i32
        %parallel_loop3A_624 = arith.shrsi %parallel_loop3A_620, %parallel_loop3A_623 : i32
        %parallel_loop3A_625 = arith.constant 3 : i32
        %parallel_loop3A_626 = arith.andi %parallel_loop3A_624, %parallel_loop3A_625 : i32
        %parallel_loop3A_627 = arith.constant 7 : i32
        %parallel_loop3A_628 = arith.andi %parallel_loop3A_620, %parallel_loop3A_627 : i32
        %parallel_loop3A_629 = arith.constant 1024 : i32
        %parallel_loop3A_630 = arith.muli %parallel_loop3A_626, %parallel_loop3A_629 : i32
        %parallel_loop3A_631 = arith.constant 128 : i32
        %parallel_loop3A_632 = arith.muli %parallel_loop3A_622, %parallel_loop3A_631 : i32
        %parallel_loop3A_633 = arith.addi %parallel_loop3A_630, %parallel_loop3A_632 : i32
        %parallel_loop3A_634 = arith.constant 16 : i32
        %parallel_loop3A_635 = arith.muli %parallel_loop3A_628, %parallel_loop3A_634 : i32
        %parallel_loop3A_636 = arith.addi %parallel_loop3A_633, %parallel_loop3A_635 : i32
        %parallel_loop3A_637 = arith.constant 1 : i32
        %parallel_loop3A_638 = arith.index_cast %parallel_loop3A_637 : i32 to index
        %parallel_loop3A_639 = arith.index_cast %parallel_loop3A_636 : i32 to index
        %parallel_loop3A_640 = tpu.vector_load %arg9[%parallel_loop3A_638, %parallel_loop3A_639] {strides = array<i32>} : memref<3x4096xi32, #tpu.memory_space<vmem>>, vector<16xi32>,
        %parallel_loop3A_641 = arith.constant 4 : i32
        %parallel_loop3A_642 = vector.broadcast %parallel_loop3A_641 : i32 to vector<16xi32>
        %parallel_loop3A_643 = arith.muli %parallel_loop3A_640, %parallel_loop3A_642 : vector<16xi32>
        %parallel_loop3A_644 = arith.constant 512 : i32
        %parallel_loop3A_645 = arith.muli %parallel_loop3A_626, %parallel_loop3A_644 : i32
        %parallel_loop3A_646 = arith.constant 16 : i32
        %parallel_loop3A_647 = arith.muli %parallel_loop3A_628, %parallel_loop3A_646 : i32
        %parallel_loop3A_648 = arith.addi %parallel_loop3A_645, %parallel_loop3A_647 : i32
        %parallel_loop3A_649 = arith.constant 0 : i32
        %parallel_loop3A_650 = vector.broadcast %parallel_loop3A_649 : i32 to vector<16xi32>
        %parallel_loop3A_651 = arith.addi %parallel_loop3A_643, %parallel_loop3A_650 : vector<16xi32>
        %parallel_loop3A_652 = tpu.vector_load_idx %arg8[%parallel_loop3A_651] : memref<128xf32, #tpu.memory_space<vmem>>[vector<16xi32>], vector<16xf32>,
        %parallel_loop3A_653 = arith.constant 0 : i32
        %parallel_loop3A_654 = arith.addi %parallel_loop3A_648, %parallel_loop3A_653 : i32
        %parallel_loop3A_655 = arith.constant 1 : i32
        %parallel_loop3A_656 = arith.index_cast %parallel_loop3A_655 : i32 to index
        %parallel_loop3A_657 = arith.index_cast %parallel_loop3A_622 : i32 to index
        %parallel_loop3A_658 = arith.index_cast %parallel_loop3A_654 : i32 to index
        %parallel_loop3A_659 = tpu.vector_load %arg10[%parallel_loop3A_656, %parallel_loop3A_657, %parallel_loop3A_658] {strides = array<i32>} : memref<3x8x2048xf32, #tpu.memory_space<vmem>>, vector<16xf32>,
        tpu.vector_store %arg10[%parallel_loop3A_656, %parallel_loop3A_657, %parallel_loop3A_658], %parallel_loop3A_652 {strides = array<i32>} : memref<3x8x2048xf32, #tpu.memory_space<vmem>>, vector<16xf32>,
        %parallel_loop3A_660 = arith.constant 1 : i32
        %parallel_loop3A_661 = vector.broadcast %parallel_loop3A_660 : i32 to vector<16xi32>
        %parallel_loop3A_662 = arith.addi %parallel_loop3A_643, %parallel_loop3A_661 : vector<16xi32>
        %parallel_loop3A_663 = tpu.vector_load_idx %arg8[%parallel_loop3A_662] : memref<128xf32, #tpu.memory_space<vmem>>[vector<16xi32>], vector<16xf32>,
        %parallel_loop3A_664 = arith.constant 128 : i32
        %parallel_loop3A_665 = arith.addi %parallel_loop3A_648, %parallel_loop3A_664 : i32
        %parallel_loop3A_666 = arith.constant 1 : i32
        %parallel_loop3A_667 = arith.index_cast %parallel_loop3A_666 : i32 to index
        %parallel_loop3A_668 = arith.index_cast %parallel_loop3A_622 : i32 to index
        %parallel_loop3A_669 = arith.index_cast %parallel_loop3A_665 : i32 to index
        %parallel_loop3A_670 = tpu.vector_load %arg10[%parallel_loop3A_667, %parallel_loop3A_668, %parallel_loop3A_669] {strides = array<i32>} : memref<3x8x2048xf32, #tpu.memory_space<vmem>>, vector<16xf32>,
        tpu.vector_store %arg10[%parallel_loop3A_667, %parallel_loop3A_668, %parallel_loop3A_669], %parallel_loop3A_663 {strides = array<i32>} : memref<3x8x2048xf32, #tpu.memory_space<vmem>>, vector<16xf32>,
        %parallel_loop3A_671 = arith.constant 2 : i32
        %parallel_loop3A_672 = vector.broadcast %parallel_loop3A_671 : i32 to vector<16xi32>
        %parallel_loop3A_673 = arith.addi %parallel_loop3A_643, %parallel_loop3A_672 : vector<16xi32>
        %parallel_loop3A_674 = tpu.vector_load_idx %arg8[%parallel_loop3A_673] : memref<128xf32, #tpu.memory_space<vmem>>[vector<16xi32>], vector<16xf32>,
        %parallel_loop3A_675 = arith.constant 256 : i32
        %parallel_loop3A_676 = arith.addi %parallel_loop3A_648, %parallel_loop3A_675 : i32
        %parallel_loop3A_677 = arith.constant 1 : i32
        %parallel_loop3A_678 = arith.index_cast %parallel_loop3A_677 : i32 to index
        %parallel_loop3A_679 = arith.index_cast %parallel_loop3A_622 : i32 to index
        %parallel_loop3A_680 = arith.index_cast %parallel_loop3A_676 : i32 to index
        %parallel_loop3A_681 = tpu.vector_load %arg10[%parallel_loop3A_678, %parallel_loop3A_679, %parallel_loop3A_680] {strides = array<i32>} : memref<3x8x2048xf32, #tpu.memory_space<vmem>>, vector<16xf32>,
        tpu.vector_store %arg10[%parallel_loop3A_678, %parallel_loop3A_679, %parallel_loop3A_680], %parallel_loop3A_674 {strides = array<i32>} : memref<3x8x2048xf32, #tpu.memory_space<vmem>>, vector<16xf32>,
        %parallel_loop3A_682 = arith.constant 3 : i32
        %parallel_loop3A_683 = vector.broadcast %parallel_loop3A_682 : i32 to vector<16xi32>
        %parallel_loop3A_684 = arith.addi %parallel_loop3A_643, %parallel_loop3A_683 : vector<16xi32>
        %parallel_loop3A_685 = tpu.vector_load_idx %arg8[%parallel_loop3A_684] : memref<128xf32, #tpu.memory_space<vmem>>[vector<16xi32>], vector<16xf32>,
        %parallel_loop3A_686 = arith.constant 384 : i32
        %parallel_loop3A_687 = arith.addi %parallel_loop3A_648, %parallel_loop3A_686 : i32
        %parallel_loop3A_688 = arith.constant 1 : i32
        %parallel_loop3A_689 = arith.index_cast %parallel_loop3A_688 : i32 to index
        %parallel_loop3A_690 = arith.index_cast %parallel_loop3A_622 : i32 to index
        %parallel_loop3A_691 = arith.index_cast %parallel_loop3A_687 : i32 to index
        %parallel_loop3A_692 = tpu.vector_load %arg10[%parallel_loop3A_689, %parallel_loop3A_690, %parallel_loop3A_691] {strides = array<i32>} : memref<3x8x2048xf32, #tpu.memory_space<vmem>>, vector<16xf32>,
        tpu.vector_store %arg10[%parallel_loop3A_689, %parallel_loop3A_690, %parallel_loop3A_691], %parallel_loop3A_685 {strides = array<i32>} : memref<3x8x2048xf32, #tpu.memory_space<vmem>>, vector<16xf32>,
      } {sc.loop_unroll_factor = 4 : i64, sc.parallel_access}
      %jit3A_468 = arith.constant 32 : i32
      %div3A_469 = arith.divsi %add3A_447, %jit3A_468 : i32
      %sign3A_470 = arith.constant 0 : i32
      %sign3A_471 = arith.cmpi sgt, %add3A_447, %sign3A_470 : i32
      %sign3A_472 = arith.extui %sign3A_471 : i1 to i32
      %sign3A_473 = arith.constant 0 : i32
      %sign3A_474 = arith.cmpi slt, %add3A_447, %sign3A_473 : i32
      %sign3A_475 = arith.extui %sign3A_474 : i1 to i32
      %sign3A_476 = arith.subi %sign3A_472, %sign3A_475 : i32
      %sign3A_477 = arith.constant 0 : i32
      %sign3A_478 = arith.cmpi sgt, %jit3A_468, %sign3A_477 : i32
      %sign3A_479 = arith.extui %sign3A_478 : i1 to i32
      %sign3A_480 = arith.constant 0 : i32
      %sign3A_481 = arith.cmpi slt, %jit3A_468, %sign3A_480 : i32
      %sign3A_482 = arith.extui %sign3A_481 : i1 to i32
      %sign3A_483 = arith.subi %sign3A_479, %sign3A_482 : i32
      %ne3A_484 = arith.cmpi ne, %sign3A_476, %sign3A_483 : i32
      %rem3A_485 = arith.remsi %add3A_447, %jit3A_468 : i32
      %ne3A_486 = arith.constant 0 : i32
      %ne3A_487 = arith.cmpi ne, %rem3A_485, %ne3A_486 : i32
      %and3A_488 = arith.andi %ne3A_484, %ne3A_487 : i1
      %sub3A_489 = arith.constant 1 : i32
      %sub3A_490 = arith.subi %div3A_469, %sub3A_489 : i32
      %select_n3A_491 = arith.select %and3A_488, %sub3A_490, %div3A_469 : i32
      %jit3A_492 = arith.constant 32 : i32
      %eq3A_493 = arith.constant 0 : i32
      %eq3A_494 = arith.cmpi eq, %jit3A_492, %eq3A_493 : i32
      %jit3A_495 = arith.constant 1 : i32
      %select_n3A_496 = arith.select %eq3A_494, %jit3A_495, %jit3A_492 : i32
      %rem3A_497 = arith.remsi %add3A_447, %select_n3A_496 : i32
      %ne3A_498 = arith.constant 0 : i32
      %ne3A_499 = arith.cmpi ne, %rem3A_497, %ne3A_498 : i32
      %lt3A_500 = arith.constant 0 : i32
      %lt3A_501 = arith.cmpi slt, %rem3A_497, %lt3A_500 : i32
      %lt3A_502 = arith.constant 0 : i32
      %lt3A_503 = arith.cmpi slt, %select_n3A_496, %lt3A_502 : i32
      %ne3A_504 = arith.xori %lt3A_501, %lt3A_503 : i1
      %and3A_505 = arith.andi %ne3A_504, %ne3A_499 : i1
      %add3A_506 = arith.addi %rem3A_497, %select_n3A_496 : i32
      %select_n3A_507 = arith.select %and3A_505, %add3A_506, %rem3A_497 : i32
      %dma_start3A_508 = arith.constant 1 : i32
      %dma_start3A_509 = arith.constant 0 : i32
      %dma_start3A_510 = arith.constant 0 : i32
      %dma_start3A_511 = tpu.memref_slice %arg10[%dma_start3A_508, %dma_start3A_509, %dma_start3A_510] : memref<3x8x2048xf32, #tpu.memory_space<vmem>> -> memref<1x8x2048xf32, #tpu.memory_space<vmem>>
      %dma_start3A_512 = tpu.memref_squeeze %dma_start3A_511 : memref<1x8x2048xf32, #tpu.memory_space<vmem>> -> memref<8x2048xf32, #tpu.memory_space<vmem>>
      %dma_start3A_513 = arith.constant 0 : i32
      %dma_start3A_514 = arith.constant 0 : i32
      %dma_start3A_515 = tpu.memref_slice %arg5[%select_n3A_491, %dma_start3A_513, %select_n3A_507, %dma_start3A_514] : memref<25x8x32x2048xf32, #tpu.memory_space<hbm>> -> memref<1x8x1x2048xf32, #tpu.memory_space<hbm>>
      %dma_start3A_516 = tpu.memref_squeeze %dma_start3A_515 : memref<1x8x1x2048xf32, #tpu.memory_space<hbm>> -> memref<8x2048xf32, #tpu.memory_space<hbm>>
      %dma_start3A_517 = arith.constant 0 : i32
      %dma_start3A_518 = arith.constant 0 : i32
      %dma_start3A_519 = tpu.memref_slice %arg5[%select_n3A_491, %dma_start3A_517, %select_n3A_507, %dma_start3A_518] : memref<25x8x32x2048xf32, #tpu.memory_space<hbm>> -> memref<1x8x1x2048xf32, #tpu.memory_space<hbm>>
      %dma_start3A_520 = tpu.memref_squeeze %dma_start3A_519 : memref<1x8x1x2048xf32, #tpu.memory_space<hbm>> -> memref<8x2048xf32, #tpu.memory_space<hbm>>
      %dma_start3A_521 = arith.constant 0 : i32
      %dma_start3A_522 = arith.constant 0 : i32
      %dma_start3A_523 = tpu.memref_slice %arg10[%dma_start3A_508, %dma_start3A_521, %dma_start3A_522] : memref<3x8x2048xf32, #tpu.memory_space<vmem>> -> memref<1x8x2048xf32, #tpu.memory_space<vmem>>
      %dma_start3A_524 = tpu.memref_squeeze %dma_start3A_523 : memref<1x8x2048xf32, #tpu.memory_space<vmem>> -> memref<8x2048xf32, #tpu.memory_space<vmem>>
      tpu.enqueue_dma source(%dma_start3A_524 : memref<8x2048xf32, #tpu.memory_space<vmem>>) target(%dma_start3A_520 : memref<8x2048xf32, #tpu.memory_space<hbm>>) target_semaphore(%arg15 : memref<!tpu.dma_semaphore, #tpu.memory_space<semaphore_mem>>)
      %add3A_525 = arith.constant 2 : i32
      %add3A_526 = arith.addi %add3A_447, %add3A_525 : i32
      %add3A_527 = arith.constant 25 : i32
      %add3A_528 = arith.addi %mul3A_2, %add3A_527 : i32
      %lt3A_529 = arith.cmpi slt, %add3A_526, %add3A_528 : i32
      %convert_element_type3A_530 = arith.extui %lt3A_529 : i1 to i32
      %cond3A_531 = arith.constant 0 : i32
      %cond3A_532 = arith.cmpi ne, %convert_element_type3A_530, %cond3A_531 : i32
      scf.if %cond3A_532 {
        %add3A_620 = arith.constant 2 : i32
        %add3A_621 = arith.addi %add3A_447, %add3A_620 : i32
        %mul3A_622 = arith.constant 4096 : i32
        %mul3A_623 = arith.muli %add3A_621, %mul3A_622 : i32
        %dma_start3A_624 = arith.constant 0 : i32
        %dma_start3A_625 = arith.constant 0 : i32
        %dma_start3A_626 = tpu.memref_slice %arg9[%dma_start3A_624, %dma_start3A_625] : memref<3x4096xi32, #tpu.memory_space<vmem>> -> memref<1x4096xi32, #tpu.memory_space<vmem>>
        %dma_start3A_627 = tpu.memref_squeeze %dma_start3A_626 : memref<1x4096xi32, #tpu.memory_space<vmem>> -> memref<4096xi32, #tpu.memory_space<vmem>>
        %dma_start3A_628 = tpu.memref_slice %arg2[%mul3A_623] : memref<3276800xi32, #tpu.memory_space<hbm>> -> memref<4096xi32, #tpu.memory_space<hbm>>
        %dma_start3A_629 = arith.constant 0 : i32
        %dma_start3A_630 = tpu.memref_slice %arg9[%dma_start3A_624, %dma_start3A_629] : memref<3x4096xi32, #tpu.memory_space<vmem>> -> memref<1x4096xi32, #tpu.memory_space<vmem>>
        %dma_start3A_631 = tpu.memref_squeeze %dma_start3A_630 : memref<1x4096xi32, #tpu.memory_space<vmem>> -> memref<4096xi32, #tpu.memory_space<vmem>>
        %dma_start3A_632 = tpu.memref_slice %arg2[%mul3A_623] : memref<3276800xi32, #tpu.memory_space<hbm>> -> memref<4096xi32, #tpu.memory_space<hbm>>
        tpu.enqueue_dma source(%dma_start3A_632 : memref<4096xi32, #tpu.memory_space<hbm>>) target(%dma_start3A_631 : memref<4096xi32, #tpu.memory_space<vmem>>) target_semaphore(%arg11 : memref<!tpu.dma_semaphore, #tpu.memory_space<semaphore_mem>>)
      } else {
      }
      %add3A_533 = arith.constant 2 : i32
      %add3A_534 = arith.addi %add3A_358, %add3A_533 : i32
      %mul3A_535 = arith.constant 4096 : i32
      %mul3A_536 = arith.muli %add3A_534, %mul3A_535 : i32
      %dma_wait3A_537 = arith.constant 2 : i32
      %dma_wait3A_538 = arith.constant 0 : i32
      %dma_wait3A_539 = tpu.memref_slice %arg9[%dma_wait3A_537, %dma_wait3A_538] : memref<3x4096xi32, #tpu.memory_space<vmem>> -> memref<1x4096xi32, #tpu.memory_space<vmem>>
      %dma_wait3A_540 = tpu.memref_squeeze %dma_wait3A_539 : memref<1x4096xi32, #tpu.memory_space<vmem>> -> memref<4096xi32, #tpu.memory_space<vmem>>
      %dma_wait3A_541 = tpu.memref_slice %arg2[%mul3A_536] : memref<3276800xi32, #tpu.memory_space<hbm>> -> memref<4096xi32, #tpu.memory_space<hbm>>
      %dma_wait3A_542 = arith.constant 0 : i32
      %dma_wait3A_543 = tpu.memref_slice %arg9[%dma_wait3A_537, %dma_wait3A_542] : memref<3x4096xi32, #tpu.memory_space<vmem>> -> memref<1x4096xi32, #tpu.memory_space<vmem>>
      %dma_wait3A_544 = tpu.memref_squeeze %dma_wait3A_543 : memref<1x4096xi32, #tpu.memory_space<vmem>> -> memref<4096xi32, #tpu.memory_space<vmem>>
      %dma_wait3A_545 = tpu.memref_slice %arg2[%mul3A_536] : memref<3276800xi32, #tpu.memory_space<hbm>> -> memref<4096xi32, #tpu.memory_space<hbm>>
      tpu.wait_dma2 semaphore(%arg13 : memref<!tpu.dma_semaphore, #tpu.memory_space<semaphore_mem>>) src(%dma_wait3A_545 : memref<4096xi32, #tpu.memory_space<hbm>>) dst(%dma_wait3A_544 : memref<4096xi32, #tpu.memory_space<vmem>>)
      %add3A_546 = arith.constant 3 : i32
      %add3A_547 = arith.addi %mul3A_2, %add3A_546 : i32
      %ge3A_548 = arith.cmpi sge, %add3A_534, %add3A_547 : i32
      %convert_element_type3A_549 = arith.extui %ge3A_548 : i1 to i32
      %cond3A_550 = arith.constant 0 : i32
      %cond3A_551 = arith.cmpi ne, %convert_element_type3A_549, %cond3A_550 : i32
      scf.if %cond3A_551 {
        %jit3A_620 = arith.constant 32 : i32
        %div3A_621 = arith.divsi %add3A_534, %jit3A_620 : i32
        %sign3A_622 = arith.constant 0 : i32
        %sign3A_623 = arith.cmpi sgt, %add3A_534, %sign3A_622 : i32
        %sign3A_624 = arith.extui %sign3A_623 : i1 to i32
        %sign3A_625 = arith.constant 0 : i32
        %sign3A_626 = arith.cmpi slt, %add3A_534, %sign3A_625 : i32
        %sign3A_627 = arith.extui %sign3A_626 : i1 to i32
        %sign3A_628 = arith.subi %sign3A_624, %sign3A_627 : i32
        %sign3A_629 = arith.constant 0 : i32
        %sign3A_630 = arith.cmpi sgt, %jit3A_620, %sign3A_629 : i32
        %sign3A_631 = arith.extui %sign3A_630 : i1 to i32
        %sign3A_632 = arith.constant 0 : i32
        %sign3A_633 = arith.cmpi slt, %jit3A_620, %sign3A_632 : i32
        %sign3A_634 = arith.extui %sign3A_633 : i1 to i32
        %sign3A_635 = arith.subi %sign3A_631, %sign3A_634 : i32
        %ne3A_636 = arith.cmpi ne, %sign3A_628, %sign3A_635 : i32
        %rem3A_637 = arith.remsi %add3A_534, %jit3A_620 : i32
        %ne3A_638 = arith.constant 0 : i32
        %ne3A_639 = arith.cmpi ne, %rem3A_637, %ne3A_638 : i32
        %and3A_640 = arith.andi %ne3A_636, %ne3A_639 : i1
        %sub3A_641 = arith.constant 1 : i32
        %sub3A_642 = arith.subi %div3A_621, %sub3A_641 : i32
        %select_n3A_643 = arith.select %and3A_640, %sub3A_642, %div3A_621 : i32
        %jit3A_644 = arith.constant 32 : i32
        %eq3A_645 = arith.constant 0 : i32
        %eq3A_646 = arith.cmpi eq, %jit3A_644, %eq3A_645 : i32
        %jit3A_647 = arith.constant 1 : i32
        %select_n3A_648 = arith.select %eq3A_646, %jit3A_647, %jit3A_644 : i32
        %rem3A_649 = arith.remsi %add3A_534, %select_n3A_648 : i32
        %ne3A_650 = arith.constant 0 : i32
        %ne3A_651 = arith.cmpi ne, %rem3A_649, %ne3A_650 : i32
        %lt3A_652 = arith.constant 0 : i32
        %lt3A_653 = arith.cmpi slt, %rem3A_649, %lt3A_652 : i32
        %lt3A_654 = arith.constant 0 : i32
        %lt3A_655 = arith.cmpi slt, %select_n3A_648, %lt3A_654 : i32
        %ne3A_656 = arith.xori %lt3A_653, %lt3A_655 : i1
        %and3A_657 = arith.andi %ne3A_656, %ne3A_651 : i1
        %add3A_658 = arith.addi %rem3A_649, %select_n3A_648 : i32
        %select_n3A_659 = arith.select %and3A_657, %add3A_658, %rem3A_649 : i32
        %dma_wait3A_660 = arith.constant 2 : i32
        %dma_wait3A_661 = arith.constant 0 : i32
        %dma_wait3A_662 = arith.constant 0 : i32
        %dma_wait3A_663 = tpu.memref_slice %arg10[%dma_wait3A_660, %dma_wait3A_661, %dma_wait3A_662] : memref<3x8x2048xf32, #tpu.memory_space<vmem>> -> memref<1x8x2048xf32, #tpu.memory_space<vmem>>
        %dma_wait3A_664 = tpu.memref_squeeze %dma_wait3A_663 : memref<1x8x2048xf32, #tpu.memory_space<vmem>> -> memref<8x2048xf32, #tpu.memory_space<vmem>>
        %dma_wait3A_665 = arith.constant 0 : i32
        %dma_wait3A_666 = arith.constant 0 : i32
        %dma_wait3A_667 = tpu.memref_slice %arg5[%select_n3A_643, %dma_wait3A_665, %select_n3A_659, %dma_wait3A_666] : memref<25x8x32x2048xf32, #tpu.memory_space<hbm>> -> memref<1x8x1x2048xf32, #tpu.memory_space<hbm>>
        %dma_wait3A_668 = tpu.memref_squeeze %dma_wait3A_667 : memref<1x8x1x2048xf32, #tpu.memory_space<hbm>> -> memref<8x2048xf32, #tpu.memory_space<hbm>>
        %dma_wait3A_669 = arith.constant 0 : i32
        %dma_wait3A_670 = arith.constant 0 : i32
        %dma_wait3A_671 = tpu.memref_slice %arg5[%select_n3A_643, %dma_wait3A_669, %select_n3A_659, %dma_wait3A_670] : memref<25x8x32x2048xf32, #tpu.memory_space<hbm>> -> memref<1x8x1x2048xf32, #tpu.memory_space<hbm>>
        %dma_wait3A_672 = tpu.memref_squeeze %dma_wait3A_671 : memref<1x8x1x2048xf32, #tpu.memory_space<hbm>> -> memref<8x2048xf32, #tpu.memory_space<hbm>>
        %dma_wait3A_673 = arith.constant 0 : i32
        %dma_wait3A_674 = arith.constant 0 : i32
        %dma_wait3A_675 = tpu.memref_slice %arg10[%dma_wait3A_660, %dma_wait3A_673, %dma_wait3A_674] : memref<3x8x2048xf32, #tpu.memory_space<vmem>> -> memref<1x8x2048xf32, #tpu.memory_space<vmem>>
        %dma_wait3A_676 = tpu.memref_squeeze %dma_wait3A_675 : memref<1x8x2048xf32, #tpu.memory_space<vmem>> -> memref<8x2048xf32, #tpu.memory_space<vmem>>
        tpu.wait_dma2 semaphore(%arg16 : memref<!tpu.dma_semaphore, #tpu.memory_space<semaphore_mem>>) src(%dma_wait3A_676 : memref<8x2048xf32, #tpu.memory_space<vmem>>) dst(%dma_wait3A_672 : memref<8x2048xf32, #tpu.memory_space<hbm>>)
      } else {
      }
      %parallel_loop3A_552 = arith.constant 0 : i32
      %parallel_loop3A_553 = arith.constant 256 : i32
      %parallel_loop3A_554 = arith.constant 1 : i32
      scf.for %parallel_loop3A_620 = %parallel_loop3A_552 to %parallel_loop3A_553 step %parallel_loop3A_554  : i32 {
        %parallel_loop3A_621 = arith.constant 5 : i32
        %parallel_loop3A_622 = arith.shrsi %parallel_loop3A_620, %parallel_loop3A_621 : i32
        %parallel_loop3A_623 = arith.constant 3 : i32
        %parallel_loop3A_624 = arith.shrsi %parallel_loop3A_620, %parallel_loop3A_623 : i32
        %parallel_loop3A_625 = arith.constant 3 : i32
        %parallel_loop3A_626 = arith.andi %parallel_loop3A_624, %parallel_loop3A_625 : i32
        %parallel_loop3A_627 = arith.constant 7 : i32
        %parallel_loop3A_628 = arith.andi %parallel_loop3A_620, %parallel_loop3A_627 : i32
        %parallel_loop3A_629 = arith.constant 1024 : i32
        %parallel_loop3A_630 = arith.muli %parallel_loop3A_626, %parallel_loop3A_629 : i32
        %parallel_loop3A_631 = arith.constant 128 : i32
        %parallel_loop3A_632 = arith.muli %parallel_loop3A_622, %parallel_loop3A_631 : i32
        %parallel_loop3A_633 = arith.addi %parallel_loop3A_630, %parallel_loop3A_632 : i32
        %parallel_loop3A_634 = arith.constant 16 : i32
        %parallel_loop3A_635 = arith.muli %parallel_loop3A_628, %parallel_loop3A_634 : i32
        %parallel_loop3A_636 = arith.addi %parallel_loop3A_633, %parallel_loop3A_635 : i32
        %parallel_loop3A_637 = arith.constant 2 : i32
        %parallel_loop3A_638 = arith.index_cast %parallel_loop3A_637 : i32 to index
        %parallel_loop3A_639 = arith.index_cast %parallel_loop3A_636 : i32 to index
        %parallel_loop3A_640 = tpu.vector_load %arg9[%parallel_loop3A_638, %parallel_loop3A_639] {strides = array<i32>} : memref<3x4096xi32, #tpu.memory_space<vmem>>, vector<16xi32>,
        %parallel_loop3A_641 = arith.constant 4 : i32
        %parallel_loop3A_642 = vector.broadcast %parallel_loop3A_641 : i32 to vector<16xi32>
        %parallel_loop3A_643 = arith.muli %parallel_loop3A_640, %parallel_loop3A_642 : vector<16xi32>
        %parallel_loop3A_644 = arith.constant 512 : i32
        %parallel_loop3A_645 = arith.muli %parallel_loop3A_626, %parallel_loop3A_644 : i32
        %parallel_loop3A_646 = arith.constant 16 : i32
        %parallel_loop3A_647 = arith.muli %parallel_loop3A_628, %parallel_loop3A_646 : i32
        %parallel_loop3A_648 = arith.addi %parallel_loop3A_645, %parallel_loop3A_647 : i32
        %parallel_loop3A_649 = arith.constant 0 : i32
        %parallel_loop3A_650 = vector.broadcast %parallel_loop3A_649 : i32 to vector<16xi32>
        %parallel_loop3A_651 = arith.addi %parallel_loop3A_643, %parallel_loop3A_650 : vector<16xi32>
        %parallel_loop3A_652 = tpu.vector_load_idx %arg8[%parallel_loop3A_651] : memref<128xf32, #tpu.memory_space<vmem>>[vector<16xi32>], vector<16xf32>,
        %parallel_loop3A_653 = arith.constant 0 : i32
        %parallel_loop3A_654 = arith.addi %parallel_loop3A_648, %parallel_loop3A_653 : i32
        %parallel_loop3A_655 = arith.constant 2 : i32
        %parallel_loop3A_656 = arith.index_cast %parallel_loop3A_655 : i32 to index
        %parallel_loop3A_657 = arith.index_cast %parallel_loop3A_622 : i32 to index
        %parallel_loop3A_658 = arith.index_cast %parallel_loop3A_654 : i32 to index
        %parallel_loop3A_659 = tpu.vector_load %arg10[%parallel_loop3A_656, %parallel_loop3A_657, %parallel_loop3A_658] {strides = array<i32>} : memref<3x8x2048xf32, #tpu.memory_space<vmem>>, vector<16xf32>,
        tpu.vector_store %arg10[%parallel_loop3A_656, %parallel_loop3A_657, %parallel_loop3A_658], %parallel_loop3A_652 {strides = array<i32>} : memref<3x8x2048xf32, #tpu.memory_space<vmem>>, vector<16xf32>,
        %parallel_loop3A_660 = arith.constant 1 : i32
        %parallel_loop3A_661 = vector.broadcast %parallel_loop3A_660 : i32 to vector<16xi32>
        %parallel_loop3A_662 = arith.addi %parallel_loop3A_643, %parallel_loop3A_661 : vector<16xi32>
        %parallel_loop3A_663 = tpu.vector_load_idx %arg8[%parallel_loop3A_662] : memref<128xf32, #tpu.memory_space<vmem>>[vector<16xi32>], vector<16xf32>,
        %parallel_loop3A_664 = arith.constant 128 : i32
        %parallel_loop3A_665 = arith.addi %parallel_loop3A_648, %parallel_loop3A_664 : i32
        %parallel_loop3A_666 = arith.constant 2 : i32
        %parallel_loop3A_667 = arith.index_cast %parallel_loop3A_666 : i32 to index
        %parallel_loop3A_668 = arith.index_cast %parallel_loop3A_622 : i32 to index
        %parallel_loop3A_669 = arith.index_cast %parallel_loop3A_665 : i32 to index
        %parallel_loop3A_670 = tpu.vector_load %arg10[%parallel_loop3A_667, %parallel_loop3A_668, %parallel_loop3A_669] {strides = array<i32>} : memref<3x8x2048xf32, #tpu.memory_space<vmem>>, vector<16xf32>,
        tpu.vector_store %arg10[%parallel_loop3A_667, %parallel_loop3A_668, %parallel_loop3A_669], %parallel_loop3A_663 {strides = array<i32>} : memref<3x8x2048xf32, #tpu.memory_space<vmem>>, vector<16xf32>,
        %parallel_loop3A_671 = arith.constant 2 : i32
        %parallel_loop3A_672 = vector.broadcast %parallel_loop3A_671 : i32 to vector<16xi32>
        %parallel_loop3A_673 = arith.addi %parallel_loop3A_643, %parallel_loop3A_672 : vector<16xi32>
        %parallel_loop3A_674 = tpu.vector_load_idx %arg8[%parallel_loop3A_673] : memref<128xf32, #tpu.memory_space<vmem>>[vector<16xi32>], vector<16xf32>,
        %parallel_loop3A_675 = arith.constant 256 : i32
        %parallel_loop3A_676 = arith.addi %parallel_loop3A_648, %parallel_loop3A_675 : i32
        %parallel_loop3A_677 = arith.constant 2 : i32
        %parallel_loop3A_678 = arith.index_cast %parallel_loop3A_677 : i32 to index
        %parallel_loop3A_679 = arith.index_cast %parallel_loop3A_622 : i32 to index
        %parallel_loop3A_680 = arith.index_cast %parallel_loop3A_676 : i32 to index
        %parallel_loop3A_681 = tpu.vector_load %arg10[%parallel_loop3A_678, %parallel_loop3A_679, %parallel_loop3A_680] {strides = array<i32>} : memref<3x8x2048xf32, #tpu.memory_space<vmem>>, vector<16xf32>,
        tpu.vector_store %arg10[%parallel_loop3A_678, %parallel_loop3A_679, %parallel_loop3A_680], %parallel_loop3A_674 {strides = array<i32>} : memref<3x8x2048xf32, #tpu.memory_space<vmem>>, vector<16xf32>,
        %parallel_loop3A_682 = arith.constant 3 : i32
        %parallel_loop3A_683 = vector.broadcast %parallel_loop3A_682 : i32 to vector<16xi32>
        %parallel_loop3A_684 = arith.addi %parallel_loop3A_643, %parallel_loop3A_683 : vector<16xi32>
        %parallel_loop3A_685 = tpu.vector_load_idx %arg8[%parallel_loop3A_684] : memref<128xf32, #tpu.memory_space<vmem>>[vector<16xi32>], vector<16xf32>,
        %parallel_loop3A_686 = arith.constant 384 : i32
        %parallel_loop3A_687 = arith.addi %parallel_loop3A_648, %parallel_loop3A_686 : i32
        %parallel_loop3A_688 = arith.constant 2 : i32
        %parallel_loop3A_689 = arith.index_cast %parallel_loop3A_688 : i32 to index
        %parallel_loop3A_690 = arith.index_cast %parallel_loop3A_622 : i32 to index
        %parallel_loop3A_691 = arith.index_cast %parallel_loop3A_687 : i32 to index
        %parallel_loop3A_692 = tpu.vector_load %arg10[%parallel_loop3A_689, %parallel_loop3A_690, %parallel_loop3A_691] {strides = array<i32>} : memref<3x8x2048xf32, #tpu.memory_space<vmem>>, vector<16xf32>,
        tpu.vector_store %arg10[%parallel_loop3A_689, %parallel_loop3A_690, %parallel_loop3A_691], %parallel_loop3A_685 {strides = array<i32>} : memref<3x8x2048xf32, #tpu.memory_space<vmem>>, vector<16xf32>,
      } {sc.loop_unroll_factor = 4 : i64, sc.parallel_access}
      %jit3A_555 = arith.constant 32 : i32
      %div3A_556 = arith.divsi %add3A_534, %jit3A_555 : i32
      %sign3A_557 = arith.constant 0 : i32
      %sign3A_558 = arith.cmpi sgt, %add3A_534, %sign3A_557 : i32
      %sign3A_559 = arith.extui %sign3A_558 : i1 to i32
      %sign3A_560 = arith.constant 0 : i32
      %sign3A_561 = arith.cmpi slt, %add3A_534, %sign3A_560 : i32
      %sign3A_562 = arith.extui %sign3A_561 : i1 to i32
      %sign3A_563 = arith.subi %sign3A_559, %sign3A_562 : i32
      %sign3A_564 = arith.constant 0 : i32
      %sign3A_565 = arith.cmpi sgt, %jit3A_555, %sign3A_564 : i32
      %sign3A_566 = arith.extui %sign3A_565 : i1 to i32
      %sign3A_567 = arith.constant 0 : i32
      %sign3A_568 = arith.cmpi slt, %jit3A_555, %sign3A_567 : i32
      %sign3A_569 = arith.extui %sign3A_568 : i1 to i32
      %sign3A_570 = arith.subi %sign3A_566, %sign3A_569 : i32
      %ne3A_571 = arith.cmpi ne, %sign3A_563, %sign3A_570 : i32
      %rem3A_572 = arith.remsi %add3A_534, %jit3A_555 : i32
      %ne3A_573 = arith.constant 0 : i32
      %ne3A_574 = arith.cmpi ne, %rem3A_572, %ne3A_573 : i32
      %and3A_575 = arith.andi %ne3A_571, %ne3A_574 : i1
      %sub3A_576 = arith.constant 1 : i32
      %sub3A_577 = arith.subi %div3A_556, %sub3A_576 : i32
      %select_n3A_578 = arith.select %and3A_575, %sub3A_577, %div3A_556 : i32
      %jit3A_579 = arith.constant 32 : i32
      %eq3A_580 = arith.constant 0 : i32
      %eq3A_581 = arith.cmpi eq, %jit3A_579, %eq3A_580 : i32
      %jit3A_582 = arith.constant 1 : i32
      %select_n3A_583 = arith.select %eq3A_581, %jit3A_582, %jit3A_579 : i32
      %rem3A_584 = arith.remsi %add3A_534, %select_n3A_583 : i32
      %ne3A_585 = arith.constant 0 : i32
      %ne3A_586 = arith.cmpi ne, %rem3A_584, %ne3A_585 : i32
      %lt3A_587 = arith.constant 0 : i32
      %lt3A_588 = arith.cmpi slt, %rem3A_584, %lt3A_587 : i32
      %lt3A_589 = arith.constant 0 : i32
      %lt3A_590 = arith.cmpi slt, %select_n3A_583, %lt3A_589 : i32
      %ne3A_591 = arith.xori %lt3A_588, %lt3A_590 : i1
      %and3A_592 = arith.andi %ne3A_591, %ne3A_586 : i1
      %add3A_593 = arith.addi %rem3A_584, %select_n3A_583 : i32
      %select_n3A_594 = arith.select %and3A_592, %add3A_593, %rem3A_584 : i32
      %dma_start3A_595 = arith.constant 2 : i32
      %dma_start3A_596 = arith.constant 0 : i32
      %dma_start3A_597 = arith.constant 0 : i32
      %dma_start3A_598 = tpu.memref_slice %arg10[%dma_start3A_595, %dma_start3A_596, %dma_start3A_597] : memref<3x8x2048xf32, #tpu.memory_space<vmem>> -> memref<1x8x2048xf32, #tpu.memory_space<vmem>>
      %dma_start3A_599 = tpu.memref_squeeze %dma_start3A_598 : memref<1x8x2048xf32, #tpu.memory_space<vmem>> -> memref<8x2048xf32, #tpu.memory_space<vmem>>
      %dma_start3A_600 = arith.constant 0 : i32
      %dma_start3A_601 = arith.constant 0 : i32
      %dma_start3A_602 = tpu.memref_slice %arg5[%select_n3A_578, %dma_start3A_600, %select_n3A_594, %dma_start3A_601] : memref<25x8x32x2048xf32, #tpu.memory_space<hbm>> -> memref<1x8x1x2048xf32, #tpu.memory_space<hbm>>
      %dma_start3A_603 = tpu.memref_squeeze %dma_start3A_602 : memref<1x8x1x2048xf32, #tpu.memory_space<hbm>> -> memref<8x2048xf32, #tpu.memory_space<hbm>>
      %dma_start3A_604 = arith.constant 0 : i32
      %dma_start3A_605 = arith.constant 0 : i32
      %dma_start3A_606 = tpu.memref_slice %arg5[%select_n3A_578, %dma_start3A_604, %select_n3A_594, %dma_start3A_605] : memref<25x8x32x2048xf32, #tpu.memory_space<hbm>> -> memref<1x8x1x2048xf32, #tpu.memory_space<hbm>>
      %dma_start3A_607 = tpu.memref_squeeze %dma_start3A_606 : memref<1x8x1x2048xf32, #tpu.memory_space<hbm>> -> memref<8x2048xf32, #tpu.memory_space<hbm>>
      %dma_start3A_608 = arith.constant 0 : i32
      %dma_start3A_609 = arith.constant 0 : i32
      %dma_start3A_610 = tpu.memref_slice %arg10[%dma_start3A_595, %dma_start3A_608, %dma_start3A_609] : memref<3x8x2048xf32, #tpu.memory_space<vmem>> -> memref<1x8x2048xf32, #tpu.memory_space<vmem>>
      %dma_start3A_611 = tpu.memref_squeeze %dma_start3A_610 : memref<1x8x2048xf32, #tpu.memory_space<vmem>> -> memref<8x2048xf32, #tpu.memory_space<vmem>>
      tpu.enqueue_dma source(%dma_start3A_611 : memref<8x2048xf32, #tpu.memory_space<vmem>>) target(%dma_start3A_607 : memref<8x2048xf32, #tpu.memory_space<hbm>>) target_semaphore(%arg16 : memref<!tpu.dma_semaphore, #tpu.memory_space<semaphore_mem>>)
      %add3A_612 = arith.constant 2 : i32
      %add3A_613 = arith.addi %add3A_534, %add3A_612 : i32
      %add3A_614 = arith.constant 25 : i32
      %add3A_615 = arith.addi %mul3A_2, %add3A_614 : i32
      %lt3A_616 = arith.cmpi slt, %add3A_613, %add3A_615 : i32
      %convert_element_type3A_617 = arith.extui %lt3A_616 : i1 to i32
      %cond3A_618 = arith.constant 0 : i32
      %cond3A_619 = arith.cmpi ne, %convert_element_type3A_617, %cond3A_618 : i32
      scf.if %cond3A_619 {
        %add3A_620 = arith.constant 2 : i32
        %add3A_621 = arith.addi %add3A_534, %add3A_620 : i32
        %mul3A_622 = arith.constant 4096 : i32
        %mul3A_623 = arith.muli %add3A_621, %mul3A_622 : i32
        %dma_start3A_624 = arith.constant 1 : i32
        %dma_start3A_625 = arith.constant 0 : i32
        %dma_start3A_626 = tpu.memref_slice %arg9[%dma_start3A_624, %dma_start3A_625] : memref<3x4096xi32, #tpu.memory_space<vmem>> -> memref<1x4096xi32, #tpu.memory_space<vmem>>
        %dma_start3A_627 = tpu.memref_squeeze %dma_start3A_626 : memref<1x4096xi32, #tpu.memory_space<vmem>> -> memref<4096xi32, #tpu.memory_space<vmem>>
        %dma_start3A_628 = tpu.memref_slice %arg2[%mul3A_623] : memref<3276800xi32, #tpu.memory_space<hbm>> -> memref<4096xi32, #tpu.memory_space<hbm>>
        %dma_start3A_629 = arith.constant 0 : i32
        %dma_start3A_630 = tpu.memref_slice %arg9[%dma_start3A_624, %dma_start3A_629] : memref<3x4096xi32, #tpu.memory_space<vmem>> -> memref<1x4096xi32, #tpu.memory_space<vmem>>
        %dma_start3A_631 = tpu.memref_squeeze %dma_start3A_630 : memref<1x4096xi32, #tpu.memory_space<vmem>> -> memref<4096xi32, #tpu.memory_space<vmem>>
        %dma_start3A_632 = tpu.memref_slice %arg2[%mul3A_623] : memref<3276800xi32, #tpu.memory_space<hbm>> -> memref<4096xi32, #tpu.memory_space<hbm>>
        tpu.enqueue_dma source(%dma_start3A_632 : memref<4096xi32, #tpu.memory_space<hbm>>) target(%dma_start3A_631 : memref<4096xi32, #tpu.memory_space<vmem>>) target_semaphore(%arg12 : memref<!tpu.dma_semaphore, #tpu.memory_space<semaphore_mem>>)
      } else {
      }
    }
    %scan3A_97 = arith.constant 8 : i32
    %add3A_98 = arith.constant 25 : i32
    %add3A_99 = arith.addi %mul3A_2, %add3A_98 : i32
    %sub3A = arith.constant 1 : i32
    %sub3A_100 = arith.subi %add3A_99, %sub3A : i32
    %mul3A_101 = arith.constant 4096 : i32
    %mul3A_102 = arith.muli %sub3A_100, %mul3A_101 : i32
    %dma_wait3A = arith.constant 0 : i32
    %dma_wait3A_103 = arith.constant 0 : i32
    %dma_wait3A_104 = tpu.memref_slice %arg9[%dma_wait3A, %dma_wait3A_103] : memref<3x4096xi32, #tpu.memory_space<vmem>> -> memref<1x4096xi32, #tpu.memory_space<vmem>>
    %dma_wait3A_105 = tpu.memref_squeeze %dma_wait3A_104 : memref<1x4096xi32, #tpu.memory_space<vmem>> -> memref<4096xi32, #tpu.memory_space<vmem>>
    %dma_wait3A_106 = tpu.memref_slice %arg2[%mul3A_102] : memref<3276800xi32, #tpu.memory_space<hbm>> -> memref<4096xi32, #tpu.memory_space<hbm>>
    %dma_wait3A_107 = arith.constant 0 : i32
    %dma_wait3A_108 = tpu.memref_slice %arg9[%dma_wait3A, %dma_wait3A_107] : memref<3x4096xi32, #tpu.memory_space<vmem>> -> memref<1x4096xi32, #tpu.memory_space<vmem>>
    %dma_wait3A_109 = tpu.memref_squeeze %dma_wait3A_108 : memref<1x4096xi32, #tpu.memory_space<vmem>> -> memref<4096xi32, #tpu.memory_space<vmem>>
    %dma_wait3A_110 = tpu.memref_slice %arg2[%mul3A_102] : memref<3276800xi32, #tpu.memory_space<hbm>> -> memref<4096xi32, #tpu.memory_space<hbm>>
    tpu.wait_dma2 semaphore(%arg11 : memref<!tpu.dma_semaphore, #tpu.memory_space<semaphore_mem>>) src(%dma_wait3A_110 : memref<4096xi32, #tpu.memory_space<hbm>>) dst(%dma_wait3A_109 : memref<4096xi32, #tpu.memory_space<vmem>>)
    %add3A_111 = arith.constant 3 : i32
    %add3A_112 = arith.addi %mul3A_2, %add3A_111 : i32
    %ge3A = arith.cmpi sge, %sub3A_100, %add3A_112 : i32
    %convert_element_type3A = arith.extui %ge3A : i1 to i32
    %cond3A = arith.constant 0 : i32
    %cond3A_113 = arith.cmpi ne, %convert_element_type3A, %cond3A : i32
    scf.if %cond3A_113 {
      %jit3A_355 = arith.constant 32 : i32
      %div3A_356 = arith.divsi %sub3A_100, %jit3A_355 : i32
      %sign3A_357 = arith.constant 0 : i32
      %sign3A_358 = arith.cmpi sgt, %sub3A_100, %sign3A_357 : i32
      %sign3A_359 = arith.extui %sign3A_358 : i1 to i32
      %sign3A_360 = arith.constant 0 : i32
      %sign3A_361 = arith.cmpi slt, %sub3A_100, %sign3A_360 : i32
      %sign3A_362 = arith.extui %sign3A_361 : i1 to i32
      %sign3A_363 = arith.subi %sign3A_359, %sign3A_362 : i32
      %sign3A_364 = arith.constant 0 : i32
      %sign3A_365 = arith.cmpi sgt, %jit3A_355, %sign3A_364 : i32
      %sign3A_366 = arith.extui %sign3A_365 : i1 to i32
      %sign3A_367 = arith.constant 0 : i32
      %sign3A_368 = arith.cmpi slt, %jit3A_355, %sign3A_367 : i32
      %sign3A_369 = arith.extui %sign3A_368 : i1 to i32
      %sign3A_370 = arith.subi %sign3A_366, %sign3A_369 : i32
      %ne3A_371 = arith.cmpi ne, %sign3A_363, %sign3A_370 : i32
      %rem3A_372 = arith.remsi %sub3A_100, %jit3A_355 : i32
      %ne3A_373 = arith.constant 0 : i32
      %ne3A_374 = arith.cmpi ne, %rem3A_372, %ne3A_373 : i32
      %and3A_375 = arith.andi %ne3A_371, %ne3A_374 : i1
      %sub3A_376 = arith.constant 1 : i32
      %sub3A_377 = arith.subi %div3A_356, %sub3A_376 : i32
      %select_n3A_378 = arith.select %and3A_375, %sub3A_377, %div3A_356 : i32
      %jit3A_379 = arith.constant 32 : i32
      %eq3A_380 = arith.constant 0 : i32
      %eq3A_381 = arith.cmpi eq, %jit3A_379, %eq3A_380 : i32
      %jit3A_382 = arith.constant 1 : i32
      %select_n3A_383 = arith.select %eq3A_381, %jit3A_382, %jit3A_379 : i32
      %rem3A_384 = arith.remsi %sub3A_100, %select_n3A_383 : i32
      %ne3A_385 = arith.constant 0 : i32
      %ne3A_386 = arith.cmpi ne, %rem3A_384, %ne3A_385 : i32
      %lt3A_387 = arith.constant 0 : i32
      %lt3A_388 = arith.cmpi slt, %rem3A_384, %lt3A_387 : i32
      %lt3A_389 = arith.constant 0 : i32
      %lt3A_390 = arith.cmpi slt, %select_n3A_383, %lt3A_389 : i32
      %ne3A_391 = arith.xori %lt3A_388, %lt3A_390 : i1
      %and3A_392 = arith.andi %ne3A_391, %ne3A_386 : i1
      %add3A_393 = arith.addi %rem3A_384, %select_n3A_383 : i32
      %select_n3A_394 = arith.select %and3A_392, %add3A_393, %rem3A_384 : i32
      %dma_wait3A_395 = arith.constant 0 : i32
      %dma_wait3A_396 = arith.constant 0 : i32
      %dma_wait3A_397 = arith.constant 0 : i32
      %dma_wait3A_398 = tpu.memref_slice %arg10[%dma_wait3A_395, %dma_wait3A_396, %dma_wait3A_397] : memref<3x8x2048xf32, #tpu.memory_space<vmem>> -> memref<1x8x2048xf32, #tpu.memory_space<vmem>>
      %dma_wait3A_399 = tpu.memref_squeeze %dma_wait3A_398 : memref<1x8x2048xf32, #tpu.memory_space<vmem>> -> memref<8x2048xf32, #tpu.memory_space<vmem>>
      %dma_wait3A_400 = arith.constant 0 : i32
      %dma_wait3A_401 = arith.constant 0 : i32
      %dma_wait3A_402 = tpu.memref_slice %arg5[%select_n3A_378, %dma_wait3A_400, %select_n3A_394, %dma_wait3A_401] : memref<25x8x32x2048xf32, #tpu.memory_space<hbm>> -> memref<1x8x1x2048xf32, #tpu.memory_space<hbm>>
      %dma_wait3A_403 = tpu.memref_squeeze %dma_wait3A_402 : memref<1x8x1x2048xf32, #tpu.memory_space<hbm>> -> memref<8x2048xf32, #tpu.memory_space<hbm>>
      %dma_wait3A_404 = arith.constant 0 : i32
      %dma_wait3A_405 = arith.constant 0 : i32
      %dma_wait3A_406 = tpu.memref_slice %arg5[%select_n3A_378, %dma_wait3A_404, %select_n3A_394, %dma_wait3A_405] : memref<25x8x32x2048xf32, #tpu.memory_space<hbm>> -> memref<1x8x1x2048xf32, #tpu.memory_space<hbm>>
      %dma_wait3A_407 = tpu.memref_squeeze %dma_wait3A_406 : memref<1x8x1x2048xf32, #tpu.memory_space<hbm>> -> memref<8x2048xf32, #tpu.memory_space<hbm>>
      %dma_wait3A_408 = arith.constant 0 : i32
      %dma_wait3A_409 = arith.constant 0 : i32
      %dma_wait3A_410 = tpu.memref_slice %arg10[%dma_wait3A_395, %dma_wait3A_408, %dma_wait3A_409] : memref<3x8x2048xf32, #tpu.memory_space<vmem>> -> memref<1x8x2048xf32, #tpu.memory_space<vmem>>
      %dma_wait3A_411 = tpu.memref_squeeze %dma_wait3A_410 : memref<1x8x2048xf32, #tpu.memory_space<vmem>> -> memref<8x2048xf32, #tpu.memory_space<vmem>>
      tpu.wait_dma2 semaphore(%arg14 : memref<!tpu.dma_semaphore, #tpu.memory_space<semaphore_mem>>) src(%dma_wait3A_411 : memref<8x2048xf32, #tpu.memory_space<vmem>>) dst(%dma_wait3A_407 : memref<8x2048xf32, #tpu.memory_space<hbm>>)
    } else {
    }
    %parallel_loop3A = arith.constant 0 : i32
    %parallel_loop3A_114 = arith.constant 256 : i32
    %parallel_loop3A_115 = arith.constant 1 : i32
    scf.for %parallel_loop3A_355 = %parallel_loop3A to %parallel_loop3A_114 step %parallel_loop3A_115  : i32 {
      %parallel_loop3A_356 = arith.constant 5 : i32
      %parallel_loop3A_357 = arith.shrsi %parallel_loop3A_355, %parallel_loop3A_356 : i32
      %parallel_loop3A_358 = arith.constant 3 : i32
      %parallel_loop3A_359 = arith.shrsi %parallel_loop3A_355, %parallel_loop3A_358 : i32
      %parallel_loop3A_360 = arith.constant 3 : i32
      %parallel_loop3A_361 = arith.andi %parallel_loop3A_359, %parallel_loop3A_360 : i32
      %parallel_loop3A_362 = arith.constant 7 : i32
      %parallel_loop3A_363 = arith.andi %parallel_loop3A_355, %parallel_loop3A_362 : i32
      %parallel_loop3A_364 = arith.constant 1024 : i32
      %parallel_loop3A_365 = arith.muli %parallel_loop3A_361, %parallel_loop3A_364 : i32
      %parallel_loop3A_366 = arith.constant 128 : i32
      %parallel_loop3A_367 = arith.muli %parallel_loop3A_357, %parallel_loop3A_366 : i32
      %parallel_loop3A_368 = arith.addi %parallel_loop3A_365, %parallel_loop3A_367 : i32
      %parallel_loop3A_369 = arith.constant 16 : i32
      %parallel_loop3A_370 = arith.muli %parallel_loop3A_363, %parallel_loop3A_369 : i32
      %parallel_loop3A_371 = arith.addi %parallel_loop3A_368, %parallel_loop3A_370 : i32
      %parallel_loop3A_372 = arith.constant 0 : i32
      %parallel_loop3A_373 = arith.index_cast %parallel_loop3A_372 : i32 to index
      %parallel_loop3A_374 = arith.index_cast %parallel_loop3A_371 : i32 to index
      %parallel_loop3A_375 = tpu.vector_load %arg9[%parallel_loop3A_373, %parallel_loop3A_374] {strides = array<i32>} : memref<3x4096xi32, #tpu.memory_space<vmem>>, vector<16xi32>,
      %parallel_loop3A_376 = arith.constant 4 : i32
      %parallel_loop3A_377 = vector.broadcast %parallel_loop3A_376 : i32 to vector<16xi32>
      %parallel_loop3A_378 = arith.muli %parallel_loop3A_375, %parallel_loop3A_377 : vector<16xi32>
      %parallel_loop3A_379 = arith.constant 512 : i32
      %parallel_loop3A_380 = arith.muli %parallel_loop3A_361, %parallel_loop3A_379 : i32
      %parallel_loop3A_381 = arith.constant 16 : i32
      %parallel_loop3A_382 = arith.muli %parallel_loop3A_363, %parallel_loop3A_381 : i32
      %parallel_loop3A_383 = arith.addi %parallel_loop3A_380, %parallel_loop3A_382 : i32
      %parallel_loop3A_384 = arith.constant 0 : i32
      %parallel_loop3A_385 = vector.broadcast %parallel_loop3A_384 : i32 to vector<16xi32>
      %parallel_loop3A_386 = arith.addi %parallel_loop3A_378, %parallel_loop3A_385 : vector<16xi32>
      %parallel_loop3A_387 = tpu.vector_load_idx %arg8[%parallel_loop3A_386] : memref<128xf32, #tpu.memory_space<vmem>>[vector<16xi32>], vector<16xf32>,
      %parallel_loop3A_388 = arith.constant 0 : i32
      %parallel_loop3A_389 = arith.addi %parallel_loop3A_383, %parallel_loop3A_388 : i32
      %parallel_loop3A_390 = arith.constant 0 : i32
      %parallel_loop3A_391 = arith.index_cast %parallel_loop3A_390 : i32 to index
      %parallel_loop3A_392 = arith.index_cast %parallel_loop3A_357 : i32 to index
      %parallel_loop3A_393 = arith.index_cast %parallel_loop3A_389 : i32 to index
      %parallel_loop3A_394 = tpu.vector_load %arg10[%parallel_loop3A_391, %parallel_loop3A_392, %parallel_loop3A_393] {strides = array<i32>} : memref<3x8x2048xf32, #tpu.memory_space<vmem>>, vector<16xf32>,
      tpu.vector_store %arg10[%parallel_loop3A_391, %parallel_loop3A_392, %parallel_loop3A_393], %parallel_loop3A_387 {strides = array<i32>} : memref<3x8x2048xf32, #tpu.memory_space<vmem>>, vector<16xf32>,
      %parallel_loop3A_395 = arith.constant 1 : i32
      %parallel_loop3A_396 = vector.broadcast %parallel_loop3A_395 : i32 to vector<16xi32>
      %parallel_loop3A_397 = arith.addi %parallel_loop3A_378, %parallel_loop3A_396 : vector<16xi32>
      %parallel_loop3A_398 = tpu.vector_load_idx %arg8[%parallel_loop3A_397] : memref<128xf32, #tpu.memory_space<vmem>>[vector<16xi32>], vector<16xf32>,
      %parallel_loop3A_399 = arith.constant 128 : i32
      %parallel_loop3A_400 = arith.addi %parallel_loop3A_383, %parallel_loop3A_399 : i32
      %parallel_loop3A_401 = arith.constant 0 : i32
      %parallel_loop3A_402 = arith.index_cast %parallel_loop3A_401 : i32 to index
      %parallel_loop3A_403 = arith.index_cast %parallel_loop3A_357 : i32 to index
      %parallel_loop3A_404 = arith.index_cast %parallel_loop3A_400 : i32 to index
      %parallel_loop3A_405 = tpu.vector_load %arg10[%parallel_loop3A_402, %parallel_loop3A_403, %parallel_loop3A_404] {strides = array<i32>} : memref<3x8x2048xf32, #tpu.memory_space<vmem>>, vector<16xf32>,
      tpu.vector_store %arg10[%parallel_loop3A_402, %parallel_loop3A_403, %parallel_loop3A_404], %parallel_loop3A_398 {strides = array<i32>} : memref<3x8x2048xf32, #tpu.memory_space<vmem>>, vector<16xf32>,
      %parallel_loop3A_406 = arith.constant 2 : i32
      %parallel_loop3A_407 = vector.broadcast %parallel_loop3A_406 : i32 to vector<16xi32>
      %parallel_loop3A_408 = arith.addi %parallel_loop3A_378, %parallel_loop3A_407 : vector<16xi32>
      %parallel_loop3A_409 = tpu.vector_load_idx %arg8[%parallel_loop3A_408] : memref<128xf32, #tpu.memory_space<vmem>>[vector<16xi32>], vector<16xf32>,
      %parallel_loop3A_410 = arith.constant 256 : i32
      %parallel_loop3A_411 = arith.addi %parallel_loop3A_383, %parallel_loop3A_410 : i32
      %parallel_loop3A_412 = arith.constant 0 : i32
      %parallel_loop3A_413 = arith.index_cast %parallel_loop3A_412 : i32 to index
      %parallel_loop3A_414 = arith.index_cast %parallel_loop3A_357 : i32 to index
      %parallel_loop3A_415 = arith.index_cast %parallel_loop3A_411 : i32 to index
      %parallel_loop3A_416 = tpu.vector_load %arg10[%parallel_loop3A_413, %parallel_loop3A_414, %parallel_loop3A_415] {strides = array<i32>} : memref<3x8x2048xf32, #tpu.memory_space<vmem>>, vector<16xf32>,
      tpu.vector_store %arg10[%parallel_loop3A_413, %parallel_loop3A_414, %parallel_loop3A_415], %parallel_loop3A_409 {strides = array<i32>} : memref<3x8x2048xf32, #tpu.memory_space<vmem>>, vector<16xf32>,
      %parallel_loop3A_417 = arith.constant 3 : i32
      %parallel_loop3A_418 = vector.broadcast %parallel_loop3A_417 : i32 to vector<16xi32>
      %parallel_loop3A_419 = arith.addi %parallel_loop3A_378, %parallel_loop3A_418 : vector<16xi32>
      %parallel_loop3A_420 = tpu.vector_load_idx %arg8[%parallel_loop3A_419] : memref<128xf32, #tpu.memory_space<vmem>>[vector<16xi32>], vector<16xf32>,
      %parallel_loop3A_421 = arith.constant 384 : i32
      %parallel_loop3A_422 = arith.addi %parallel_loop3A_383, %parallel_loop3A_421 : i32
      %parallel_loop3A_423 = arith.constant 0 : i32
      %parallel_loop3A_424 = arith.index_cast %parallel_loop3A_423 : i32 to index
      %parallel_loop3A_425 = arith.index_cast %parallel_loop3A_357 : i32 to index
      %parallel_loop3A_426 = arith.index_cast %parallel_loop3A_422 : i32 to index
      %parallel_loop3A_427 = tpu.vector_load %arg10[%parallel_loop3A_424, %parallel_loop3A_425, %parallel_loop3A_426] {strides = array<i32>} : memref<3x8x2048xf32, #tpu.memory_space<vmem>>, vector<16xf32>,
      tpu.vector_store %arg10[%parallel_loop3A_424, %parallel_loop3A_425, %parallel_loop3A_426], %parallel_loop3A_420 {strides = array<i32>} : memref<3x8x2048xf32, #tpu.memory_space<vmem>>, vector<16xf32>,
    } {sc.loop_unroll_factor = 4 : i64, sc.parallel_access}
    %jit3A = arith.constant 32 : i32
    %div3A = arith.divsi %sub3A_100, %jit3A : i32
    %sign3A = arith.constant 0 : i32
    %sign3A_116 = arith.cmpi sgt, %sub3A_100, %sign3A : i32
    %sign3A_117 = arith.extui %sign3A_116 : i1 to i32
    %sign3A_118 = arith.constant 0 : i32
    %sign3A_119 = arith.cmpi slt, %sub3A_100, %sign3A_118 : i32
    %sign3A_120 = arith.extui %sign3A_119 : i1 to i32
    %sign3A_121 = arith.subi %sign3A_117, %sign3A_120 : i32
    %sign3A_122 = arith.constant 0 : i32
    %sign3A_123 = arith.cmpi sgt, %jit3A, %sign3A_122 : i32
    %sign3A_124 = arith.extui %sign3A_123 : i1 to i32
    %sign3A_125 = arith.constant 0 : i32
    %sign3A_126 = arith.cmpi slt, %jit3A, %sign3A_125 : i32
    %sign3A_127 = arith.extui %sign3A_126 : i1 to i32
    %sign3A_128 = arith.subi %sign3A_124, %sign3A_127 : i32
    %ne3A = arith.cmpi ne, %sign3A_121, %sign3A_128 : i32
    %rem3A = arith.remsi %sub3A_100, %jit3A : i32
    %ne3A_129 = arith.constant 0 : i32
    %ne3A_130 = arith.cmpi ne, %rem3A, %ne3A_129 : i32
    %and3A = arith.andi %ne3A, %ne3A_130 : i1
    %sub3A_131 = arith.constant 1 : i32
    %sub3A_132 = arith.subi %div3A, %sub3A_131 : i32
    %select_n3A = arith.select %and3A, %sub3A_132, %div3A : i32
    %jit3A_133 = arith.constant 32 : i32
    %eq3A = arith.constant 0 : i32
    %eq3A_134 = arith.cmpi eq, %jit3A_133, %eq3A : i32
    %jit3A_135 = arith.constant 1 : i32
    %select_n3A_136 = arith.select %eq3A_134, %jit3A_135, %jit3A_133 : i32
    %rem3A_137 = arith.remsi %sub3A_100, %select_n3A_136 : i32
    %ne3A_138 = arith.constant 0 : i32
    %ne3A_139 = arith.cmpi ne, %rem3A_137, %ne3A_138 : i32
    %lt3A = arith.constant 0 : i32
    %lt3A_140 = arith.cmpi slt, %rem3A_137, %lt3A : i32
    %lt3A_141 = arith.constant 0 : i32
    %lt3A_142 = arith.cmpi slt, %select_n3A_136, %lt3A_141 : i32
    %ne3A_143 = arith.xori %lt3A_140, %lt3A_142 : i1
    %and3A_144 = arith.andi %ne3A_143, %ne3A_139 : i1
    %add3A_145 = arith.addi %rem3A_137, %select_n3A_136 : i32
    %select_n3A_146 = arith.select %and3A_144, %add3A_145, %rem3A_137 : i32
    %dma_start3A_147 = arith.constant 0 : i32
    %dma_start3A_148 = arith.constant 0 : i32
    %dma_start3A_149 = arith.constant 0 : i32
    %dma_start3A_150 = tpu.memref_slice %arg10[%dma_start3A_147, %dma_start3A_148, %dma_start3A_149] : memref<3x8x2048xf32, #tpu.memory_space<vmem>> -> memref<1x8x2048xf32, #tpu.memory_space<vmem>>
    %dma_start3A_151 = tpu.memref_squeeze %dma_start3A_150 : memref<1x8x2048xf32, #tpu.memory_space<vmem>> -> memref<8x2048xf32, #tpu.memory_space<vmem>>
    %dma_start3A_152 = arith.constant 0 : i32
    %dma_start3A_153 = arith.constant 0 : i32
    %dma_start3A_154 = tpu.memref_slice %arg5[%select_n3A, %dma_start3A_152, %select_n3A_146, %dma_start3A_153] : memref<25x8x32x2048xf32, #tpu.memory_space<hbm>> -> memref<1x8x1x2048xf32, #tpu.memory_space<hbm>>
    %dma_start3A_155 = tpu.memref_squeeze %dma_start3A_154 : memref<1x8x1x2048xf32, #tpu.memory_space<hbm>> -> memref<8x2048xf32, #tpu.memory_space<hbm>>
    %dma_start3A_156 = arith.constant 0 : i32
    %dma_start3A_157 = arith.constant 0 : i32
    %dma_start3A_158 = tpu.memref_slice %arg5[%select_n3A, %dma_start3A_156, %select_n3A_146, %dma_start3A_157] : memref<25x8x32x2048xf32, #tpu.memory_space<hbm>> -> memref<1x8x1x2048xf32, #tpu.memory_space<hbm>>
    %dma_start3A_159 = tpu.memref_squeeze %dma_start3A_158 : memref<1x8x1x2048xf32, #tpu.memory_space<hbm>> -> memref<8x2048xf32, #tpu.memory_space<hbm>>
    %dma_start3A_160 = arith.constant 0 : i32
    %dma_start3A_161 = arith.constant 0 : i32
    %dma_start3A_162 = tpu.memref_slice %arg10[%dma_start3A_147, %dma_start3A_160, %dma_start3A_161] : memref<3x8x2048xf32, #tpu.memory_space<vmem>> -> memref<1x8x2048xf32, #tpu.memory_space<vmem>>
    %dma_start3A_163 = tpu.memref_squeeze %dma_start3A_162 : memref<1x8x2048xf32, #tpu.memory_space<vmem>> -> memref<8x2048xf32, #tpu.memory_space<vmem>>
    tpu.enqueue_dma source(%dma_start3A_163 : memref<8x2048xf32, #tpu.memory_space<vmem>>) target(%dma_start3A_159 : memref<8x2048xf32, #tpu.memory_space<hbm>>) target_semaphore(%arg14 : memref<!tpu.dma_semaphore, #tpu.memory_space<semaphore_mem>>)
    %add3A_164 = arith.constant 2 : i32
    %add3A_165 = arith.addi %sub3A_100, %add3A_164 : i32
    %add3A_166 = arith.constant 25 : i32
    %add3A_167 = arith.addi %mul3A_2, %add3A_166 : i32
    %lt3A_168 = arith.cmpi slt, %add3A_165, %add3A_167 : i32
    %convert_element_type3A_169 = arith.extui %lt3A_168 : i1 to i32
    %cond3A_170 = arith.constant 0 : i32
    %cond3A_171 = arith.cmpi ne, %convert_element_type3A_169, %cond3A_170 : i32
    scf.if %cond3A_171 {
      %add3A_355 = arith.constant 2 : i32
      %add3A_356 = arith.addi %sub3A_100, %add3A_355 : i32
      %mul3A_357 = arith.constant 4096 : i32
      %mul3A_358 = arith.muli %add3A_356, %mul3A_357 : i32
      %dma_start3A_359 = arith.constant 2 : i32
      %dma_start3A_360 = arith.constant 0 : i32
      %dma_start3A_361 = tpu.memref_slice %arg9[%dma_start3A_359, %dma_start3A_360] : memref<3x4096xi32, #tpu.memory_space<vmem>> -> memref<1x4096xi32, #tpu.memory_space<vmem>>
      %dma_start3A_362 = tpu.memref_squeeze %dma_start3A_361 : memref<1x4096xi32, #tpu.memory_space<vmem>> -> memref<4096xi32, #tpu.memory_space<vmem>>
      %dma_start3A_363 = tpu.memref_slice %arg2[%mul3A_358] : memref<3276800xi32, #tpu.memory_space<hbm>> -> memref<4096xi32, #tpu.memory_space<hbm>>
      %dma_start3A_364 = arith.constant 0 : i32
      %dma_start3A_365 = tpu.memref_slice %arg9[%dma_start3A_359, %dma_start3A_364] : memref<3x4096xi32, #tpu.memory_space<vmem>> -> memref<1x4096xi32, #tpu.memory_space<vmem>>
      %dma_start3A_366 = tpu.memref_squeeze %dma_start3A_365 : memref<1x4096xi32, #tpu.memory_space<vmem>> -> memref<4096xi32, #tpu.memory_space<vmem>>
      %dma_start3A_367 = tpu.memref_slice %arg2[%mul3A_358] : memref<3276800xi32, #tpu.memory_space<hbm>> -> memref<4096xi32, #tpu.memory_space<hbm>>
      tpu.enqueue_dma source(%dma_start3A_367 : memref<4096xi32, #tpu.memory_space<hbm>>) target(%dma_start3A_366 : memref<4096xi32, #tpu.memory_space<vmem>>) target_semaphore(%arg13 : memref<!tpu.dma_semaphore, #tpu.memory_space<semaphore_mem>>)
    } else {
    }
    %add3A_172 = arith.constant 25 : i32
    %add3A_173 = arith.addi %mul3A_2, %add3A_172 : i32
    %sub3A_174 = arith.constant 1 : i32
    %sub3A_175 = arith.subi %add3A_173, %sub3A_174 : i32
    %jit3A_176 = arith.constant 32 : i32
    %div3A_177 = arith.divsi %sub3A_175, %jit3A_176 : i32
    %sign3A_178 = arith.constant 0 : i32
    %sign3A_179 = arith.cmpi sgt, %sub3A_175, %sign3A_178 : i32
    %sign3A_180 = arith.extui %sign3A_179 : i1 to i32
    %sign3A_181 = arith.constant 0 : i32
    %sign3A_182 = arith.cmpi slt, %sub3A_175, %sign3A_181 : i32
    %sign3A_183 = arith.extui %sign3A_182 : i1 to i32
    %sign3A_184 = arith.subi %sign3A_180, %sign3A_183 : i32
    %sign3A_185 = arith.constant 0 : i32
    %sign3A_186 = arith.cmpi sgt, %jit3A_176, %sign3A_185 : i32
    %sign3A_187 = arith.extui %sign3A_186 : i1 to i32
    %sign3A_188 = arith.constant 0 : i32
    %sign3A_189 = arith.cmpi slt, %jit3A_176, %sign3A_188 : i32
    %sign3A_190 = arith.extui %sign3A_189 : i1 to i32
    %sign3A_191 = arith.subi %sign3A_187, %sign3A_190 : i32
    %ne3A_192 = arith.cmpi ne, %sign3A_184, %sign3A_191 : i32
    %rem3A_193 = arith.remsi %sub3A_175, %jit3A_176 : i32
    %ne3A_194 = arith.constant 0 : i32
    %ne3A_195 = arith.cmpi ne, %rem3A_193, %ne3A_194 : i32
    %and3A_196 = arith.andi %ne3A_192, %ne3A_195 : i1
    %sub3A_197 = arith.constant 1 : i32
    %sub3A_198 = arith.subi %div3A_177, %sub3A_197 : i32
    %select_n3A_199 = arith.select %and3A_196, %sub3A_198, %div3A_177 : i32
    %jit3A_200 = arith.constant 32 : i32
    %eq3A_201 = arith.constant 0 : i32
    %eq3A_202 = arith.cmpi eq, %jit3A_200, %eq3A_201 : i32
    %jit3A_203 = arith.constant 1 : i32
    %select_n3A_204 = arith.select %eq3A_202, %jit3A_203, %jit3A_200 : i32
    %rem3A_205 = arith.remsi %sub3A_175, %select_n3A_204 : i32
    %ne3A_206 = arith.constant 0 : i32
    %ne3A_207 = arith.cmpi ne, %rem3A_205, %ne3A_206 : i32
    %lt3A_208 = arith.constant 0 : i32
    %lt3A_209 = arith.cmpi slt, %rem3A_205, %lt3A_208 : i32
    %lt3A_210 = arith.constant 0 : i32
    %lt3A_211 = arith.cmpi slt, %select_n3A_204, %lt3A_210 : i32
    %ne3A_212 = arith.xori %lt3A_209, %lt3A_211 : i1
    %and3A_213 = arith.andi %ne3A_212, %ne3A_207 : i1
    %add3A_214 = arith.addi %rem3A_205, %select_n3A_204 : i32
    %select_n3A_215 = arith.select %and3A_213, %add3A_214, %rem3A_205 : i32
    %dma_wait3A_216 = arith.constant 0 : i32
    %dma_wait3A_217 = arith.constant 0 : i32
    %dma_wait3A_218 = arith.constant 0 : i32
    %dma_wait3A_219 = tpu.memref_slice %arg10[%dma_wait3A_216, %dma_wait3A_217, %dma_wait3A_218] : memref<3x8x2048xf32, #tpu.memory_space<vmem>> -> memref<1x8x2048xf32, #tpu.memory_space<vmem>>
    %dma_wait3A_220 = tpu.memref_squeeze %dma_wait3A_219 : memref<1x8x2048xf32, #tpu.memory_space<vmem>> -> memref<8x2048xf32, #tpu.memory_space<vmem>>
    %dma_wait3A_221 = arith.constant 0 : i32
    %dma_wait3A_222 = arith.constant 0 : i32
    %dma_wait3A_223 = tpu.memref_slice %arg5[%select_n3A_199, %dma_wait3A_221, %select_n3A_215, %dma_wait3A_222] : memref<25x8x32x2048xf32, #tpu.memory_space<hbm>> -> memref<1x8x1x2048xf32, #tpu.memory_space<hbm>>
    %dma_wait3A_224 = tpu.memref_squeeze %dma_wait3A_223 : memref<1x8x1x2048xf32, #tpu.memory_space<hbm>> -> memref<8x2048xf32, #tpu.memory_space<hbm>>
    %dma_wait3A_225 = arith.constant 0 : i32
    %dma_wait3A_226 = arith.constant 0 : i32
    %dma_wait3A_227 = tpu.memref_slice %arg5[%select_n3A_199, %dma_wait3A_225, %select_n3A_215, %dma_wait3A_226] : memref<25x8x32x2048xf32, #tpu.memory_space<hbm>> -> memref<1x8x1x2048xf32, #tpu.memory_space<hbm>>
    %dma_wait3A_228 = tpu.memref_squeeze %dma_wait3A_227 : memref<1x8x1x2048xf32, #tpu.memory_space<hbm>> -> memref<8x2048xf32, #tpu.memory_space<hbm>>
    %dma_wait3A_229 = arith.constant 0 : i32
    %dma_wait3A_230 = arith.constant 0 : i32
    %dma_wait3A_231 = tpu.memref_slice %arg10[%dma_wait3A_216, %dma_wait3A_229, %dma_wait3A_230] : memref<3x8x2048xf32, #tpu.memory_space<vmem>> -> memref<1x8x2048xf32, #tpu.memory_space<vmem>>
    %dma_wait3A_232 = tpu.memref_squeeze %dma_wait3A_231 : memref<1x8x2048xf32, #tpu.memory_space<vmem>> -> memref<8x2048xf32, #tpu.memory_space<vmem>>
    tpu.wait_dma2 semaphore(%arg14 : memref<!tpu.dma_semaphore, #tpu.memory_space<semaphore_mem>>) src(%dma_wait3A_232 : memref<8x2048xf32, #tpu.memory_space<vmem>>) dst(%dma_wait3A_228 : memref<8x2048xf32, #tpu.memory_space<hbm>>)
    %add3A_233 = arith.constant 25 : i32
    %add3A_234 = arith.addi %mul3A_2, %add3A_233 : i32
    %sub3A_235 = arith.constant 2 : i32
    %sub3A_236 = arith.subi %add3A_234, %sub3A_235 : i32
    %jit3A_237 = arith.constant 32 : i32
    %div3A_238 = arith.divsi %sub3A_236, %jit3A_237 : i32
    %sign3A_239 = arith.constant 0 : i32
    %sign3A_240 = arith.cmpi sgt, %sub3A_236, %sign3A_239 : i32
    %sign3A_241 = arith.extui %sign3A_240 : i1 to i32
    %sign3A_242 = arith.constant 0 : i32
    %sign3A_243 = arith.cmpi slt, %sub3A_236, %sign3A_242 : i32
    %sign3A_244 = arith.extui %sign3A_243 : i1 to i32
    %sign3A_245 = arith.subi %sign3A_241, %sign3A_244 : i32
    %sign3A_246 = arith.constant 0 : i32
    %sign3A_247 = arith.cmpi sgt, %jit3A_237, %sign3A_246 : i32
    %sign3A_248 = arith.extui %sign3A_247 : i1 to i32
    %sign3A_249 = arith.constant 0 : i32
    %sign3A_250 = arith.cmpi slt, %jit3A_237, %sign3A_249 : i32
    %sign3A_251 = arith.extui %sign3A_250 : i1 to i32
    %sign3A_252 = arith.subi %sign3A_248, %sign3A_251 : i32
    %ne3A_253 = arith.cmpi ne, %sign3A_245, %sign3A_252 : i32
    %rem3A_254 = arith.remsi %sub3A_236, %jit3A_237 : i32
    %ne3A_255 = arith.constant 0 : i32
    %ne3A_256 = arith.cmpi ne, %rem3A_254, %ne3A_255 : i32
    %and3A_257 = arith.andi %ne3A_253, %ne3A_256 : i1
    %sub3A_258 = arith.constant 1 : i32
    %sub3A_259 = arith.subi %div3A_238, %sub3A_258 : i32
    %select_n3A_260 = arith.select %and3A_257, %sub3A_259, %div3A_238 : i32
    %jit3A_261 = arith.constant 32 : i32
    %eq3A_262 = arith.constant 0 : i32
    %eq3A_263 = arith.cmpi eq, %jit3A_261, %eq3A_262 : i32
    %jit3A_264 = arith.constant 1 : i32
    %select_n3A_265 = arith.select %eq3A_263, %jit3A_264, %jit3A_261 : i32
    %rem3A_266 = arith.remsi %sub3A_236, %select_n3A_265 : i32
    %ne3A_267 = arith.constant 0 : i32
    %ne3A_268 = arith.cmpi ne, %rem3A_266, %ne3A_267 : i32
    %lt3A_269 = arith.constant 0 : i32
    %lt3A_270 = arith.cmpi slt, %rem3A_266, %lt3A_269 : i32
    %lt3A_271 = arith.constant 0 : i32
    %lt3A_272 = arith.cmpi slt, %select_n3A_265, %lt3A_271 : i32
    %ne3A_273 = arith.xori %lt3A_270, %lt3A_272 : i1
    %and3A_274 = arith.andi %ne3A_273, %ne3A_268 : i1
    %add3A_275 = arith.addi %rem3A_266, %select_n3A_265 : i32
    %select_n3A_276 = arith.select %and3A_274, %add3A_275, %rem3A_266 : i32
    %dma_wait3A_277 = arith.constant 2 : i32
    %dma_wait3A_278 = arith.constant 0 : i32
    %dma_wait3A_279 = arith.constant 0 : i32
    %dma_wait3A_280 = tpu.memref_slice %arg10[%dma_wait3A_277, %dma_wait3A_278, %dma_wait3A_279] : memref<3x8x2048xf32, #tpu.memory_space<vmem>> -> memref<1x8x2048xf32, #tpu.memory_space<vmem>>
    %dma_wait3A_281 = tpu.memref_squeeze %dma_wait3A_280 : memref<1x8x2048xf32, #tpu.memory_space<vmem>> -> memref<8x2048xf32, #tpu.memory_space<vmem>>
    %dma_wait3A_282 = arith.constant 0 : i32
    %dma_wait3A_283 = arith.constant 0 : i32
    %dma_wait3A_284 = tpu.memref_slice %arg5[%select_n3A_260, %dma_wait3A_282, %select_n3A_276, %dma_wait3A_283] : memref<25x8x32x2048xf32, #tpu.memory_space<hbm>> -> memref<1x8x1x2048xf32, #tpu.memory_space<hbm>>
    %dma_wait3A_285 = tpu.memref_squeeze %dma_wait3A_284 : memref<1x8x1x2048xf32, #tpu.memory_space<hbm>> -> memref<8x2048xf32, #tpu.memory_space<hbm>>
    %dma_wait3A_286 = arith.constant 0 : i32
    %dma_wait3A_287 = arith.constant 0 : i32
    %dma_wait3A_288 = tpu.memref_slice %arg5[%select_n3A_260, %dma_wait3A_286, %select_n3A_276, %dma_wait3A_287] : memref<25x8x32x2048xf32, #tpu.memory_space<hbm>> -> memref<1x8x1x2048xf32, #tpu.memory_space<hbm>>
    %dma_wait3A_289 = tpu.memref_squeeze %dma_wait3A_288 : memref<1x8x1x2048xf32, #tpu.memory_space<hbm>> -> memref<8x2048xf32, #tpu.memory_space<hbm>>
    %dma_wait3A_290 = arith.constant 0 : i32
    %dma_wait3A_291 = arith.constant 0 : i32
    %dma_wait3A_292 = tpu.memref_slice %arg10[%dma_wait3A_277, %dma_wait3A_290, %dma_wait3A_291] : memref<3x8x2048xf32, #tpu.memory_space<vmem>> -> memref<1x8x2048xf32, #tpu.memory_space<vmem>>
    %dma_wait3A_293 = tpu.memref_squeeze %dma_wait3A_292 : memref<1x8x2048xf32, #tpu.memory_space<vmem>> -> memref<8x2048xf32, #tpu.memory_space<vmem>>
    tpu.wait_dma2 semaphore(%arg16 : memref<!tpu.dma_semaphore, #tpu.memory_space<semaphore_mem>>) src(%dma_wait3A_293 : memref<8x2048xf32, #tpu.memory_space<vmem>>) dst(%dma_wait3A_289 : memref<8x2048xf32, #tpu.memory_space<hbm>>)
    %add3A_294 = arith.constant 25 : i32
    %add3A_295 = arith.addi %mul3A_2, %add3A_294 : i32
    %sub3A_296 = arith.constant 3 : i32
    %sub3A_297 = arith.subi %add3A_295, %sub3A_296 : i32
    %jit3A_298 = arith.constant 32 : i32
    %div3A_299 = arith.divsi %sub3A_297, %jit3A_298 : i32
    %sign3A_300 = arith.constant 0 : i32
    %sign3A_301 = arith.cmpi sgt, %sub3A_297, %sign3A_300 : i32
    %sign3A_302 = arith.extui %sign3A_301 : i1 to i32
    %sign3A_303 = arith.constant 0 : i32
    %sign3A_304 = arith.cmpi slt, %sub3A_297, %sign3A_303 : i32
    %sign3A_305 = arith.extui %sign3A_304 : i1 to i32
    %sign3A_306 = arith.subi %sign3A_302, %sign3A_305 : i32
    %sign3A_307 = arith.constant 0 : i32
    %sign3A_308 = arith.cmpi sgt, %jit3A_298, %sign3A_307 : i32
    %sign3A_309 = arith.extui %sign3A_308 : i1 to i32
    %sign3A_310 = arith.constant 0 : i32
    %sign3A_311 = arith.cmpi slt, %jit3A_298, %sign3A_310 : i32
    %sign3A_312 = arith.extui %sign3A_311 : i1 to i32
    %sign3A_313 = arith.subi %sign3A_309, %sign3A_312 : i32
    %ne3A_314 = arith.cmpi ne, %sign3A_306, %sign3A_313 : i32
    %rem3A_315 = arith.remsi %sub3A_297, %jit3A_298 : i32
    %ne3A_316 = arith.constant 0 : i32
    %ne3A_317 = arith.cmpi ne, %rem3A_315, %ne3A_316 : i32
    %and3A_318 = arith.andi %ne3A_314, %ne3A_317 : i1
    %sub3A_319 = arith.constant 1 : i32
    %sub3A_320 = arith.subi %div3A_299, %sub3A_319 : i32
    %select_n3A_321 = arith.select %and3A_318, %sub3A_320, %div3A_299 : i32
    %jit3A_322 = arith.constant 32 : i32
    %eq3A_323 = arith.constant 0 : i32
    %eq3A_324 = arith.cmpi eq, %jit3A_322, %eq3A_323 : i32
    %jit3A_325 = arith.constant 1 : i32
    %select_n3A_326 = arith.select %eq3A_324, %jit3A_325, %jit3A_322 : i32
    %rem3A_327 = arith.remsi %sub3A_297, %select_n3A_326 : i32
    %ne3A_328 = arith.constant 0 : i32
    %ne3A_329 = arith.cmpi ne, %rem3A_327, %ne3A_328 : i32
    %lt3A_330 = arith.constant 0 : i32
    %lt3A_331 = arith.cmpi slt, %rem3A_327, %lt3A_330 : i32
    %lt3A_332 = arith.constant 0 : i32
    %lt3A_333 = arith.cmpi slt, %select_n3A_326, %lt3A_332 : i32
    %ne3A_334 = arith.xori %lt3A_331, %lt3A_333 : i1
    %and3A_335 = arith.andi %ne3A_334, %ne3A_329 : i1
    %add3A_336 = arith.addi %rem3A_327, %select_n3A_326 : i32
    %select_n3A_337 = arith.select %and3A_335, %add3A_336, %rem3A_327 : i32
    %dma_wait3A_338 = arith.constant 1 : i32
    %dma_wait3A_339 = arith.constant 0 : i32
    %dma_wait3A_340 = arith.constant 0 : i32
    %dma_wait3A_341 = tpu.memref_slice %arg10[%dma_wait3A_338, %dma_wait3A_339, %dma_wait3A_340] : memref<3x8x2048xf32, #tpu.memory_space<vmem>> -> memref<1x8x2048xf32, #tpu.memory_space<vmem>>
    %dma_wait3A_342 = tpu.memref_squeeze %dma_wait3A_341 : memref<1x8x2048xf32, #tpu.memory_space<vmem>> -> memref<8x2048xf32, #tpu.memory_space<vmem>>
    %dma_wait3A_343 = arith.constant 0 : i32
    %dma_wait3A_344 = arith.constant 0 : i32
    %dma_wait3A_345 = tpu.memref_slice %arg5[%select_n3A_321, %dma_wait3A_343, %select_n3A_337, %dma_wait3A_344] : memref<25x8x32x2048xf32, #tpu.memory_space<hbm>> -> memref<1x8x1x2048xf32, #tpu.memory_space<hbm>>
    %dma_wait3A_346 = tpu.memref_squeeze %dma_wait3A_345 : memref<1x8x1x2048xf32, #tpu.memory_space<hbm>> -> memref<8x2048xf32, #tpu.memory_space<hbm>>
    %dma_wait3A_347 = arith.constant 0 : i32
    %dma_wait3A_348 = arith.constant 0 : i32
    %dma_wait3A_349 = tpu.memref_slice %arg5[%select_n3A_321, %dma_wait3A_347, %select_n3A_337, %dma_wait3A_348] : memref<25x8x32x2048xf32, #tpu.memory_space<hbm>> -> memref<1x8x1x2048xf32, #tpu.memory_space<hbm>>
    %dma_wait3A_350 = tpu.memref_squeeze %dma_wait3A_349 : memref<1x8x1x2048xf32, #tpu.memory_space<hbm>> -> memref<8x2048xf32, #tpu.memory_space<hbm>>
    %dma_wait3A_351 = arith.constant 0 : i32
    %dma_wait3A_352 = arith.constant 0 : i32
    %dma_wait3A_353 = tpu.memref_slice %arg10[%dma_wait3A_338, %dma_wait3A_351, %dma_wait3A_352] : memref<3x8x2048xf32, #tpu.memory_space<vmem>> -> memref<1x8x2048xf32, #tpu.memory_space<vmem>>
    %dma_wait3A_354 = tpu.memref_squeeze %dma_wait3A_353 : memref<1x8x2048xf32, #tpu.memory_space<vmem>> -> memref<8x2048xf32, #tpu.memory_space<vmem>>
    tpu.wait_dma2 semaphore(%arg15 : memref<!tpu.dma_semaphore, #tpu.memory_space<semaphore_mem>>) src(%dma_wait3A_354 : memref<8x2048xf32, #tpu.memory_space<vmem>>) dst(%dma_wait3A_350 : memref<8x2048xf32, #tpu.memory_space<hbm>>)
    return
  }
}

</mosaic_0001>

<sc_bundles>
// kernel: kernel.3.cloned.1.call-start
scs
__scs_entry_jumppad:
0x0: {  	(pc) =	sbr.rel $0x88, $3  }
0x1: {  	(tag) =	ssettag $0x0;
	lr =	simm.s32 $0x1  }
0x2: {  	[smem:$0x3F9E] =	sst lr;
	_ =	strace $0xD0000000  }
0x3: {  	_ = 	snop  }
0x4: {  	_ = 	snop  }
0x5: {  	_ = 	snop  }
0x6: {  	_ = 	snop  }
0x7: {  	_ = 	snop  }
__scs_overlays_trampoline_lowered:
0x8: {  	[smem:$0x3FAD] =	sst s0  }
0x9: {  	[smem:$0x3FAE] =	sst s1  }
0xa: {  	[smem:$0x3FAF] =	sst s2  }
0xb: {  	[smem:$0x3FB0] =	sst s3  }
0xc: {  	[smem:$0x3FB1] =	sst s4  }
0xd: {  	[smem:$0x3FB2] =	sst s5  }
0xe: {  	[smem:$0x3FB3] =	sst s6  }
0xf: {  	[smem:$0x3FB4] =	sst s7  }
0x10: {  	[smem:$0x3FB5] =	sst s8  }
0x11: {  	[smem:$0x3FB6] =	sst s9;
	s0 =	simm.s32 @!p0 $0x0  }
0x12: {  	s1 =	sld [smem:$0x3F9C];
	s0 =	simm.s32 @p0 $0x1  }
0x13: {  	[smem:$0x3FB7] =	sst s0;
	s0 =	simm.s32 @!p1 $0x0  }
0x14: {  	s2 =	sld [smem:$0x3F9B];
	s0 =	simm.s32 @p1 $0x1  }
0x15: {  	[smem:$0x3FB8] =	sst s0;
	s0 =	simm.s32 @!p2 $0x0  }
0x16: {  	s3 =	sld [smem:$0x3FDB];
	s0 =	simm.s32 @p2 $0x1  }
0x17: {  	s4 =	simm.s32 $0x1BF5;
	[smem:$0x3FBA] =	sst s0  }
0x18: {  	s0 =	sld [smem:$0x3F9D];
	_ =	swait.ge [sflag:s4], $0x0  }
0x19: {  	s7 =	sld [smem:$0x3F9E]  }
0x1a: {  	s8 =	sadd.s32 $0xFFFFE003, lr  }
0x1b: {  	s9 =	sadd.s32 $0xFFFFFEF7, lr;
	s5 =	simm.s32 $0xFFFFFFFF;
	p2 =	slt.u32 s8, $0xFFFFF086  }
0x1c: {  	p1 =	slt.u32 s9, $0xF7A;
	s5 =	simm.s32 @!p2 $0x0  }
0x1d: {  	s5 =	simm.s32 @p1 $0x1;
	p0 =	seq.s32 s7, s2  }
0x1e: {  	s7 =	smul.u32 @!p0 $0xF7A, s2;
	p2 =	seq.s32 @!p0 s5, $0x0  }
0x1f: {  	s9 =	smul.u32 $0xF7A, s1;
	s8 =	simm.s32 @!p0 $0x1BF5;
	p2 =	por !p2, p0  }
0x20: {  	[sflag:s8] =	ssyncset.s32 @!p0 $0xFFFFF086;
	s6 =	sadd.s32 @!p0 s3, s7;
	s7 =	simm.s32 @!p0 $0x108  }
0x21: {  	s3 =	sadd.s32 s3, s9;
	s6 =	sadd.s32 @!p0 $0x88, s6;
	s7 =	simm.s32 @p2 $0x1082  }
0x22: {  	[simem:s7], [sflag:s8] =	dma.local @!p0 [hbm:s6], $0xF7A  }
0x23: {  	s9 =	sor.u32 $0xD0000000, s2;
	s6 =	simm.s32 $0x108;
	_ =	swait.ge @!p0 [sflag:s8], $0x0  }
0x24: {  	s3 =	sadd.s32 $0x88, s3;
	s6 =	simm.s32 @!p1 $0x1082;
	[sflag:s4] =	ssyncset.s32 $0xFFFFF086  }
0x25: {  	[simem:s6], [sflag:s4] =	dma.local [hbm:s3], $0xF7A  }
0x26: {  	[smem:$0x3F9E] =	sst s1;
	(tag) =	ssettag s2;
	_ =	strace s9  }
0x27: {  	s1 =	sld [smem:$0x3FAE]  }
0x28: {  	s2 =	sld [smem:$0x3FAF]  }
0x29: {  	s4 =	sld [smem:$0x3FB1]  }
0x2a: {  	p0 =	seq.s32 s5, $0x0;
	s5 =	sld [smem:$0x3FB2]  }
0x2b: {  	s6 =	sld [smem:$0x3FB3]  }
0x2c: {  	s7 =	sld [smem:$0x3FB4]  }
0x2d: {  	s3 =	simm.s32 $0x108;
	s8 =	sld [smem:$0x3FB5]  }
0x2e: {  	s3 =	simm.s32 @!p0 $0x1082;
	s9 =	sld [smem:$0x3FB6]  }
0x2f: {  	lr =	sadd.s32 s0, s3;
	s0 =	sld [smem:$0x3FAD]  }
0x30: {  	s3 =	sld [smem:$0x3FB0]  }
0x31: {  	[smem:$0x3FB9] =	sst s10  }
0x32: {  	s10 =	sld [smem:$0x3FB7];
	_ =	sdelay $0x3  }
0x33: {  	p0 =	seq.s32 s10, $0x1;
	s10 =	sld [smem:$0x3FB9];
	_ =	sdelay $0x3  }
0x34: {  	[smem:$0x3FB9] =	sst s10  }
0x35: {  	s10 =	sld [smem:$0x3FB8];
	_ =	sdelay $0x3  }
0x36: {  	p1 =	seq.s32 s10, $0x1;
	s10 =	sld [smem:$0x3FB9];
	_ =	sdelay $0x3  }
0x37: {  	[smem:$0x3FB9] =	sst s10  }
0x38: {  	s10 =	sld [smem:$0x3FBA]  }
0x39: {  	_ = 	snop;
	(pc) =	sbr.ind lr, $3  }
0x3a: {  	_ = 	snop  }
0x3b: {  	_ = 	snop  }
0x3c: {  	p2 =	seq.s32 s10, $0x1;
	s10 =	sld [smem:$0x3FB9]  }
0x3d: {  	_ =	shalt  }
0x3e: {  	_ =	shalt  }
0x3f: {  	_ =	shalt  }
0x40: {  	_ =	shalt  }
0x41: {  	_ =	shalt  }
0x42: {  	_ =	shalt  }
0x43: {  	_ =	shalt  }
0x44: {  	_ =	shalt  }
0x45: {  	_ =	shalt  }
0x46: {  	_ =	shalt  }
0x47: {  	_ =	shalt  }
0x48: {  	_ =	shalt  }
0x49: {  	_ =	shalt  }
0x4a: {  	_ =	shalt  }
0x4b: {  	_ =	shalt  }
0x4c: {  	_ =	shalt  }
0x4d: {  	_ =	shalt  }
0x4e: {  	_ =	shalt  }
0x4f: {  	_ =	shalt  }
0x50: {  	_ =	shalt  }
0x51: {  	_ =	shalt  }
0x52: {  	_ =	shalt  }
0x53: {  	_ =	shalt  }
0x54: {  	_ =	shalt  }
0x55: {  	_ =	shalt  }
0x56: {  	_ =	shalt  }
0x57: {  	_ =	shalt  }
0x58: {  	_ =	shalt  }
0x59: {  	_ =	shalt  }
0x5a: {  	_ =	shalt  }
0x5b: {  	_ =	shalt  }
0x5c: {  	_ =	shalt  }
0x5d: {  	_ =	shalt  }
0x5e: {  	_ =	shalt  }
0x5f: {  	_ =	shalt  }
0x60: {  	_ =	shalt  }
0x61: {  	_ =	shalt  }
0x62: {  	_ =	shalt  }
0x63: {  	_ =	shalt  }
0x64: {  	_ =	shalt  }
0x65: {  	_ =	shalt  }
0x66: {  	_ =	shalt  }
0x67: {  	_ =	shalt  }
0x68: {  	_ =	shalt  }
0x69: {  	_ =	shalt  }
0x6a: {  	_ =	shalt  }
0x6b: {  	_ =	shalt  }
0x6c: {  	_ =	shalt  }
0x6d: {  	_ =	shalt  }
0x6e: {  	_ =	shalt  }
0x6f: {  	_ =	shalt  }
0x70: {  	_ =	shalt  }
0x71: {  	_ =	shalt  }
0x72: {  	_ =	shalt  }
0x73: {  	_ =	shalt  }
0x74: {  	_ =	shalt  }
0x75: {  	_ =	shalt  }
0x76: {  	_ =	shalt  }
0x77: {  	_ =	shalt  }
0x78: {  	_ =	shalt  }
0x79: {  	_ =	shalt  }
0x7a: {  	_ =	shalt  }
0x7b: {  	_ =	shalt  }
0x7c: {  	_ =	shalt  }
0x7d: {  	_ =	shalt  }
0x7e: {  	_ =	shalt  }
0x7f: {  	_ =	shalt  }
0x80: {  	_ =	shalt  }
0x81: {  	_ =	shalt  }
0x82: {  	_ =	shalt  }
0x83: {  	_ =	shalt  }
0x84: {  	_ =	shalt  }
0x85: {  	_ =	shalt  }
0x86: {  	_ =	shalt  }
0x87: {  	_ =	shalt  }
.Lfunc_end0:
.L_simem_size_0:
called_computation_lowered:
.L_overlay_start_0:
0x88: {  	s2 =	sld [smem:$0x3FD9]  }
0x89: {  	s3 =	sld [smem:$0x3FFE];
	_ =	sdelay $0x1  }
0x8a: {  	s1 =	srdreg.scid  }
0x8b: {  	s0 =	sand.u32 $0x1, s1  }
0x8c: {  	s17 =	sshll.u32 s0, $0xA;
	s2 =	sadd.s32 s3, s2  }
0x8d: {  	s2 =	sadd.s32 s2, s17  }
0x8e: {  	[smem:$0x3FC5] =	sst s2  }
0x8f: {  	_ = 	snop  }
0x90: {  	s2 =	sld [smem:$0x3FC9]  }
0x91: {  	s18 =	sld [smem:$0x3FC8]  }
0x92: {  	s4 =	sld [smem:$0x3FD0];
	(tm) =	ssettm $0x1  }
0x93: {  	s5 =	sld [smem:$0x3FFB];
	_ =	sdelay $0x3  }
0x94: {  	_ =	strace s5  }
0x95: {  	s5 =	sld [smem:$0x3FFC];
	_ =	sdelay $0x3  }
0x96: {  	_ =	strace s5  }
0x97: {  	s5 =	sld [smem:$0x3FFD];
	_ =	sdelay $0x3  }
0x98: {  	_ =	strace s5  }
0x99: {  	_ =	strace $0x8FFFFFFF  }
0x9a: {  	s19 =	sld [smem:$0x3FDB];
	_ =	sdelay $0x1  }
0x9b: {  	s6 =	simm.s32 $_scs_section_size  }
0x9c: {  	s7 =	simm.s32 $_size__tile_overlayer_lowered;
	s8 =	simm.s32 $_tile_overlayer_lowered  }
0x9d: {  	s22 =	simm.s32 $0x1BFF;
	s21 =	sshll.u32 s8, $0x1;
	s5 =	sadd.s32 s6, s19  }
0x9e: {  	s9 =	simm.s32 $0x0;
	s20 =	sshll.u32 s7, $0x1;
	s7 =	sadd.s32 s21, s5  }
0x9f: {  	[timem:s9], [sflag:s22] =	dma.local [hbm:s7], s20  }
0xa0: {  	_ =	swait.ge [sflag:s22], s20  }
0xa1: {  	s6 =	ssub.s32 $0x0, s20;
	[sflag:s22] =	ssyncset.done $0x0  }
0xa2: {  	[sflag:s22] =	ssyncadd.s32 s6;
	_ =	sdelay $0x1  }
0xa3: {  	s23 =	simm.s32 $0x1B8B  }
0xa4: {  	_ =	swait.ge [sflag:s23], $0x1  }
0xa5: {  	[sflag:s23] =	ssyncset.done $0x0  }
0xa6: {  	s25 =	simm.s32 $0x1B8E;
	s24 =	sld [smem:$0x3FFE];
	[sflag:s23] =	ssyncadd.s32 $0xFFFFFFFF  }
0xa7: {  	s26 =	simm.s32 $execute0_lowered;
	[smem:$0x3FD2] =	sst s25  }
0xa8: {  	s7 =	sshll.u32 s26, $0x1;
	_ =	strace $0x80000046;
	[dreg:$0x1] =	wrdreg $0xFFFFFFFF  }
0xa9: {  	s28 =	simm.s32 $_size_execute0_lowered;
	s5 =	sadd.s32 s5, s7;
	[dreg:$0x0] =	wrdreg $0x0  }
0xaa: {  	s7 =	sshll.u32 s28, $0x1;
	[dreg:$0x2] =	wrdreg s5  }
0xab: {  	[dreg:$0x3] =	wrdreg s7  }
0xac: {  	[dreg:$0x4] =	wrdreg $0xC0  }
0xad: {  	_ =	task [dreg:s9], $0x5FFFF  }
0xae: {  	[dreg:$0x1] =	wrdreg $0xFFFFFFFF  }
0xaf: {  	[dreg:$0x0] =	wrdreg $0x60  }
0xb0: {  	[dreg:$0x2] =	wrdreg s2  }
0xb1: {  	[dreg:$0x3] =	wrdreg s18  }
0xb2: {  	[dreg:$0x4] =	wrdreg s24  }
0xb3: {  	[dreg:$0x5] =	wrdreg s4  }
0xb4: {  	[dreg:$0x6] =	wrdreg $0x9  }
0xb5: {  	_ =	task.clear_ibuf [dreg:s9], $0x7FFFF;
	_ =	strace $0x90000046  }
0xb6: {  	s29 =	simm.s32 $0x9;
	_ =	strace $0x80000048  }
0xb7: {  	_ =	swait.ge [sflag:s29], $0x1  }
0xb8: {  	[sflag:s29] =	ssyncadd.s32 $0xFFFFFFFF  }
0xb9: {  	_ =	strace $0x90000048  }
0xba: {  	_ =	sfence  }
0xbb: {  	s30 =	sld [smem:$0x0];
	_ =	sdelay $0x2  }
0xbc: {  	s31 =	sshll.u32 s1, $0xD;
	s1 =	sshrl.u32 s1, $0x2  }
0xbd: {  	s3 =	sand.u32 $0x4000, s31;
	s1 =	sadd.s32 s1, s30  }
0xbe: {  	s0 =	sor.u32 s3, s0;
	s1 =	sshll.u32 s1, $0x11  }
0xbf: {  	s0 =	sor.u32 s1, s0  }
0xc0: {  	s0 =	sadd.s32 $0x8F2B, s0  }
0xc1: {  	[sflag:s0] =	ssyncadd.remote.s32 $0x1  }
0xc2: {  	_ =	sfence.sel $0xFFFF  }
0xc3: {  	[dreg:$0x0] =	wrdreg $0xFFFFFFFF;
	(pc) =	sbr.abs _section_cstart, $3  }
0xc4: {  	[dreg:$0x1] =	wrdreg $0xFFFFFFFF  }
0xc5: {  	_ =	task.clear_ibuf [dreg:s9], $0x2FFFF;
	_ =	strace $0x9FFFFFFF  }
0xc6: {  	(tm) =	ssettm $0x7FFFFFFF  }
0xc7: {  	_ =	shalt  }
tec
execute0_lowered:
.L_overlay_start_1:
0x0: {  	(tag) =	ssettag $0x1  }
0x1: {  	s25 =	rddreg [dreg:$0x0]  }
0x2: {  	s0 =	rddreg [dreg:$0x2]  }
0x3: {  	s4 =	rddreg [dreg:$0x3];
	s1 =	srdreg.scid  }
0x4: {  	s2 =	stileid.u32;
	s3 =	simm.s32 $0x0;
	s17 =	simm.s32 $0xA0  }
0x5: {  	s20 =	simm.s32 $0x1;
	s1 =	sand.u32 $0x1, s1;
	s2 =	sshll.u32 s2, $0x1  }
0x6: {  	s21 =	simm.s32 $0x800;
	[smem:$0x7FF] =	sst s3;
	s2 =	sor.u32 s1, s2  }
0x7: {  	s0 =	sadd.s32 $0x400, s0;
	s31 =	sadd.s32 $0x600, s25;
	s22 =	smul.u32 $0x19000, s2  }
0x8: {  	_ =	strace $0x80000047;
	s23 =	ssub.s32 $0x2, s1;
	s5 =	smul.u32 $0x19, s2  }
0x9: {  	[dreg:$0x5] =	wrdreg s0;
	s1 =	sshrl.u32 s23, $0x1;
	s2 =	smul.u32 $0x3200, s2  }
0xa: {  	[dreg:$0xc] =	wrdreg s31;
	s0 =	ssub.s32 s23, s1;
	s3 =	sshrl.u32 s22, $0x3  }
0xb: {  	s26 =	sadd.s32 $0x18, s5;
	s2 =	sadd.s32 s25, s2;
	[dreg:$0x6] =	wrdreg s5  }
0xc: {  	v0 =	vlaneseq.u32;
	s30 =	sadd.s32 $0x19, s5;
	s0 =	smax.u32 s0, $0x1;
	s24 =	sadd.s32 s25, s3  }
0xd: {  	v0 =	vmul.u32 $0x4, v0;
	[dreg:$0x7] =	wrdreg s2;
	s28 =	sshll.u32 s26, $0x8;
	s1 =	sadd.s32 $0x200, s24  }
0xe: {  	s29 =	sshll.u32 s26, $0xB;
	[dreg:$0x8] =	wrdreg s1;
	s1 =	sand.u32 $0x1F00, s28  }
0xf: {  	v1 =	vor.u32 $0x1, v0;
	[dreg:$0x9] =	wrdreg s30;
	s2 =	sand.u32 $0x3F0000, s29;
	s1 =	sadd.s32 s4, s1  }
0x10: {  	v2 =	vor.u32 $0x2, v0;
	v3 =	vor.u32 $0x3, v0;
	v4 =	vor.u32 $0x40, v0;
	s10 =	sadd.s32 $0x3, s5;
	[dreg:$0xb] =	wrdreg s0;
	s1 =	sadd.s32 s2, s1  }
0x11: {  	v5 =	vor.u32 $0x41, v0;
	v6 =	vor.u32 $0x42, v0;
	v7 =	vor.u32 $0x43, v0;
	s22 =	simm.s32 $0x10000;
	s2 =	simm.s32 $0x0;
	[dreg:$0xa] =	wrdreg s1  }
.LBB2_1:
0x12: {  	[dreg:$0xd] =	wrdreg s2  }
0x13: {  	s0 =	rddreg [dreg:$0x1];
	s1 =	simm.s32 $0x0;
	s24 =	simm.s32 $0x7  }
0x14: {  	[tilespmem:s1], [sflag:$0x7] =	stream.linear.gather [hbm4b:s0+s1], $0x20, $0x38;
	[tilespmem:$0xF120] =	vst v63  }
0x15: {  	_ =	swait.ge [sflag:s24], $0x20  }
0x16: {  	[sflag:s24] =	ssyncset.done $0x0  }
0x17: {  	s3 =	simm.s32 $0x20;
	s26 =	rddreg [dreg:$0x5];
	[sflag:s24] =	ssyncadd.s32 $0xFFFFFFE0  }
0x18: {  	[tilespmem:s3], [sflag:$0x7] =	stream.linear.gather [hbm4b:s26+s1], $0x80, $0x38;
	[tilespmem:$0xF120] =	vst v63  }
0x19: {  	_ =	swait.ge [sflag:s24], $0x80  }
0x1a: {  	[sflag:s24] =	ssyncset.done $0x0  }
0x1b: {  	[sflag:s24] =	ssyncadd.s32 $0xFFFFFF80  }
0x1c: {  	v8 =	vld [tilespmem:$0x0];
	_ =	sdelay $0x4  }
0x1d: {  	v8 =	vshll.u32 v8, $0x2;
	_ =	sdelay $0x4  }
0x1e: {  	v9 =	vld.idx.msk [tilespmem:v8+s3+$0x0], $0xffff  }
0x1f: {  	v10 =	vor.u32 $0x1, v8;
	_ =	sdelay $0x3  }
0x20: {  	[tilespmem:v0+s17+$0x0] =	vst.idx.msk $0xffff, v9  }
0x21: {  	v9 =	vld.idx.msk [tilespmem:v10+s3+$0x0], $0xffff  }
0x22: {  	v61 =	vor.u32 $0x2, v8;
	_ =	sdelay $0x3  }
0x23: {  	[tilespmem:v1+s17+$0x0] =	vst.idx.msk $0xffff, v9  }
0x24: {  	v9 =	vld.idx.msk [tilespmem:v61+s3+$0x0], $0xffff  }
0x25: {  	v8 =	vor.u32 $0x3, v8;
	_ =	sdelay $0x3  }
0x26: {  	[tilespmem:v2+s17+$0x0] =	vst.idx.msk $0xffff, v9  }
0x27: {  	v8 =	vld.idx.msk [tilespmem:v8+s3+$0x0], $0xffff;
	_ =	sdelay $0x4  }
0x28: {  	[tilespmem:v3+s17+$0x0] =	vst.idx.msk $0xffff, v8  }
0x29: {  	v8 =	vld [tilespmem:$0x10];
	_ =	sdelay $0x4  }
0x2a: {  	v8 =	vshll.u32 v8, $0x2;
	_ =	sdelay $0x4  }
0x2b: {  	v9 =	vld.idx.msk [tilespmem:v8+s3+$0x0], $0xffff  }
0x2c: {  	v62 =	vor.u32 $0x1, v8;
	_ =	sdelay $0x3  }
0x2d: {  	[tilespmem:v4+s17+$0x0] =	vst.idx.msk $0xffff, v9  }
0x2e: {  	v9 =	vld.idx.msk [tilespmem:v62+s3+$0x0], $0xffff  }
0x2f: {  	v63 =	vor.u32 $0x2, v8;
	_ =	sdelay $0x3  }
0x30: {  	[tilespmem:v5+s17+$0x0] =	vst.idx.msk $0xffff, v9  }
0x31: {  	v9 =	vld.idx.msk [tilespmem:v63+s3+$0x0], $0xffff  }
0x32: {  	v8 =	vor.u32 $0x3, v8;
	_ =	sdelay $0x3  }
0x33: {  	[tilespmem:v6+s17+$0x0] =	vst.idx.msk $0xffff, v9  }
0x34: {  	v8 =	vld.idx.msk [tilespmem:v8+s3+$0x0], $0xffff;
	_ =	sdelay $0x4  }
0x35: {  	s29 =	simm.s32 $0x120;
	s28 =	rddreg [dreg:$0x7];
	[tilespmem:v7+s17+$0x0] =	vst.idx.msk $0xffff, v8  }
0x36: {  	[tilespmem:s29], [sflag:$0x1] =	stream.linear.gather [hbm4b:s28+s1], $0x1000, $0x38;
	[tilespmem:$0xF120] =	vst v63  }
0x37: {  	s31 =	simm.s32 $0x1120;
	s2 =	simm.s32 $0x0;
	s30 =	rddreg [dreg:$0x8]  }
0x38: {  	[tilespmem:s31], [sflag:$0x2] =	stream.linear.gather [hbm4b:s30+s1], $0x1000, $0x38;
	[tilespmem:$0xF120] =	vst v63  }
.LBB2_2:
0x39: {  	_ =	swait.ge [sflag:s20], $0x1000;
	p0 =	seq.s32 s2, $0x0;
	s0 =	simm.s32 $0x0  }
0x3a: {  	s3 =	simm.s32 $0x0;
	s6 =	simm.s32 $0x0;
	[sflag:s20] =	ssyncset.done $0x0  }
0x3b: {  	s1 =	simm.s32 @!p0 $0x4;
	s0 =	sand.u32 $0x3, s0;
	s3 =	sand.u32 $0x3FFFFF80, s3  }
0x3c: {  	s6 =	sand.u32 $0x40, s6;
	[sflag:s20] =	ssyncadd.s32 $0xFFFFF000;
	s7 =	sshll.u32 s0, $0xA  }
0x3d: {  	s19 =	sor.u32 $0x30, s6;
	_ =	swait.ge @!p0 [sflag:s1], $0x4000;
	s3 =	sadd.s32 s3, s7  }
0x3e: {  	s9 =	sor.u32 $0x10, s6;
	[sflag:s1] =	ssyncset.done @!p0 $0x0;
	s3 =	sadd.s32 $0x120, s3  }
0x3f: {  	s26 =	sor.u32 $0x20, s6;
	[sflag:s1] =	ssyncadd.s32 @!p0 $0xFFFFC000;
	s23 =	sadd.s32 s19, s3  }
0x40: {  	s24 =	sor.u32 s6, s3;
	s8 =	sor.u32 s9, s3;
	s3 =	sadd.s32 s26, s3;
	v8 =	vld [tilespmem:s23+$0x0]  }
0x41: {  	v11 =	vld [tilespmem:s3+$0x0]  }
0x42: {  	s28 =	simm.s32 $0x0;
	v9 =	vld [tilespmem:s24+$0x0]  }
0x43: {  	s29 =	simm.s32 $0x0;
	s0 =	sshll.u32 s0, $0x9;
	s3 =	sand.u32 $0x3FFFF800, s28  }
0x44: {  	s13 =	sand.u32 $0x3, s29;
	s0 =	sor.u32 s0, s3;
	s3 =	simm.s32 $0x10  }
0x45: {  	s5 =	simm.s32 $0x40;
	s4 =	sshll.u32 s13, $0xA;
	v10 =	vld [tilespmem:s8+$0x0];
	s15 =	sand.u32 $0x3FFFFF80, s3;
	v8 =	vshll.u32 v8, $0x2  }
0x46: {  	s3 =	sand.u32 $0x40, s5;
	s11 =	sadd.s32 s15, s4;
	v11 =	vshll.u32 v11, $0x2  }
0x47: {  	s8 =	sor.u32 $0x10, s3;
	s7 =	sadd.s32 $0x120, s11;
	v9 =	vshll.u32 v9, $0x2  }
0x48: {  	s16 =	sor.u32 s8, s7  }
0x49: {  	v21 =	vld [tilespmem:s16+$0x0]  }
0x4a: {  	v10 =	vshll.u32 v10, $0x2;
	v12 =	vld.idx.msk [tilespmem:v8+s17+$0x0], $0xffff  }
0x4b: {  	s12 =	sadd.s32 $0x3120, s0;
	v13 =	vor.u32 $0x1, v8;
	v17 =	vld.idx.msk [tilespmem:v11+s17+$0x0], $0xffff  }
0x4c: {  	s29 =	simm.s32 $0x1;
	s28 =	sshll.u32 s13, $0x9;
	s0 =	sadd.s32 s19, s12;
	v14 =	vld.idx.msk [tilespmem:v9+s17+$0x0], $0xffff  }
0x4d: {  	s23 =	sor.u32 $0x30, s3;
	s18 =	sor.u32 s6, s12;
	s15 =	sor.u32 s3, s7  }
0x4e: {  	s19 =	sor.u32 $0x20, s3;
	v15 =	vor.u32 $0x1, v9;
	v19 =	vld [tilespmem:s15+$0x0];
	s16 =	sadd.s32 s26, s12;
	s26 =	simm.s32 $0x100  }
0x4f: {  	s4 =	simm.s32 $0x20;
	s1 =	sand.u32 $0x3FFFF800, s26;
	s26 =	sand.u32 $0x3, s29;
	v16 =	vld.idx.msk [tilespmem:v10+s17+$0x0], $0xffff;
	[tilespmem:s0+$0x0] =	vst v12  }
0x50: {  	s6 =	sand.u32 $0x3FFFFF80, s4;
	s14 =	sadd.s32 s23, s7;
	s5 =	sshll.u32 s26, $0xA;
	[tilespmem:s16+$0x0] =	vst v17;
	v17 =	vshll.u32 v21, $0x2;
	v12 =	vld.idx.msk [tilespmem:v13+s17+$0x0], $0xffff  }
0x51: {  	s13 =	simm.s32 $0x80;
	s24 =	sadd.s32 s19, s7;
	s7 =	sadd.s32 s6, s5;
	[tilespmem:s18+$0x0] =	vst v14;
	v14 =	vld [tilespmem:s14+$0x0];
	v13 =	vor.u32 $0x2, v8  }
0x52: {  	v18 =	vor.u32 $0x1, v10;
	v23 =	vld [tilespmem:s24+$0x0];
	s15 =	sor.u32 s9, s12;
	s9 =	sand.u32 $0x40, s13;
	s7 =	sadd.s32 $0x120, s7  }
0x53: {  	v20 =	vor.u32 $0x1, v11;
	s24 =	sor.u32 s9, s7;
	v15 =	vld.idx.msk [tilespmem:v15+s17+$0x0], $0xffff  }
0x54: {  	v22 =	vor.u32 $0x2, v9;
	v26 =	vld [tilespmem:s24+$0x0];
	[tilespmem:s15+$0x0] =	vst v16  }
0x55: {  	v16 =	vshll.u32 v19, $0x2;
	v24 =	vld.idx.msk [tilespmem:v17+s17+$0x0], $0xffff;
	[tilespmem:s0+$0x80] =	vst v12  }
0x56: {  	v12 =	vld.idx.msk [tilespmem:v13+s17+$0x0], $0xffff;
	v13 =	vshll.u32 v14, $0x2  }
0x57: {  	v19 =	vshll.u32 v23, $0x2;
	v14 =	vld.idx.msk [tilespmem:v18+s17+$0x0], $0xffff  }
0x58: {  	v8 =	vor.u32 $0x3, v8;
	[tilespmem:s18+$0x80] =	vst v15;
	v15 =	vld.idx.msk [tilespmem:v20+s17+$0x0], $0xffff  }
0x59: {  	v20 =	vor.u32 $0x2, v10;
	v18 =	vld.idx.msk [tilespmem:v22+s17+$0x0], $0xffff  }
0x5a: {  	v9 =	vor.u32 $0x3, v9;
	v22 =	vld.idx.msk [tilespmem:v16+s17+$0x0], $0xffff  }
0x5b: {  	v21 =	vld.idx.msk [tilespmem:v13+s17+$0x0], $0xffff;
	[tilespmem:s0+$0x100] =	vst v12;
	v12 =	vor.u32 $0x2, v11  }
0x5c: {  	v23 =	vor.u32 $0x1, v13;
	[tilespmem:s15+$0x80] =	vst v14;
	v14 =	vld.idx.msk [tilespmem:v19+s17+$0x0], $0xffff  }
0x5d: {  	s1 =	sor.u32 s28, s1;
	v25 =	vor.u32 $0x1, v16;
	v8 =	vld.idx.msk [tilespmem:v8+s17+$0x0], $0xffff  }
0x5e: {  	s1 =	sadd.s32 $0x3120, s1;
	[tilespmem:s18+$0x100] =	vst v18;
	v20 =	vld.idx.msk [tilespmem:v20+s17+$0x0], $0xffff  }
0x5f: {  	s12 =	sadd.s32 s23, s1;
	[tilespmem:s16+$0x80] =	vst v15;
	v18 =	vld.idx.msk [tilespmem:v9+s17+$0x0], $0xffff  }
0x60: {  	s6 =	sor.u32 s3, s1;
	[tilespmem:s12+$0x0] =	vst v21;
	v21 =	vld.idx.msk [tilespmem:v12+s17+$0x0], $0xffff  }
0x61: {  	s3 =	sor.u32 $0x30, s9;
	[tilespmem:s6+$0x0] =	vst v22;
	v22 =	vor.u32 $0x1, v17;
	v12 =	vld.idx.msk [tilespmem:v23+s17+$0x0], $0xffff  }
0x62: {  	s31 =	sor.u32 $0x20, s9;
	s8 =	sor.u32 s8, s1;
	s11 =	sadd.s32 s3, s7;
	v15 =	vor.u32 $0x2, v13;
	v9 =	vld.idx.msk [tilespmem:v25+s17+$0x0], $0xffff  }
0x63: {  	s30 =	sor.u32 $0x10, s9;
	s24 =	sadd.s32 s31, s7;
	[tilespmem:s8+$0x0] =	vst v24;
	v25 =	vor.u32 $0x1, v19;
	v23 =	vld [tilespmem:s11+$0x0]  }
0x64: {  	v29 =	vor.u32 $0x3, v10;
	v30 =	vld [tilespmem:s24+$0x0];
	s14 =	sor.u32 s30, s7;
	[tilespmem:s0+$0x180] =	vst v8;
	s0 =	sadd.s32 s19, s1  }
0x65: {  	v27 =	vor.u32 $0x2, v16;
	v28 =	vld [tilespmem:s14+$0x0];
	[tilespmem:s0+$0x0] =	vst v14  }
0x66: {  	v34 =	vshll.u32 v26, $0x2;
	v14 =	vld.idx.msk [tilespmem:v22+s17+$0x0], $0xffff;
	[tilespmem:s12+$0x80] =	vst v12  }
0x67: {  	v31 =	vor.u32 $0x3, v11;
	v24 =	vld.idx.msk [tilespmem:v15+s17+$0x0], $0xffff  }
0x68: {  	[tilespmem:s15+$0x100] =	vst v20;
	v32 =	vld.idx.msk [tilespmem:v25+s17+$0x0], $0xffff;
	v8 =	vshll.u32 v23, $0x2  }
0x69: {  	v30 =	vshll.u32 v30, $0x2;
	v10 =	vor.u32 $0x3, v19;
	v33 =	vor.u32 $0x3, v13;
	[tilespmem:s6+$0x80] =	vst v9;
	v25 =	vld.idx.msk [tilespmem:v29+s17+$0x0], $0xffff  }
0x6a: {  	v11 =	vor.u32 $0x3, v16;
	v13 =	vor.u32 $0x2, v34;
	[tilespmem:s18+$0x180] =	vst v18;
	v23 =	vld.idx.msk [tilespmem:v27+s17+$0x0], $0xffff;
	v27 =	vshll.u32 v28, $0x2  }
0x6b: {  	v9 =	vor.u32 $0x3, v17;
	v20 =	vor.u32 $0x3, v34;
	v18 =	vor.u32 $0x1, v30;
	v29 =	vld.idx.msk [tilespmem:v34+s17+$0x0], $0xffff;
	[tilespmem:s16+$0x100] =	vst v21  }
0x6c: {  	s28 =	smul.u32 $0x3, s2;
	v22 =	vor.u32 $0x2, v30;
	v12 =	vor.u32 $0x2, v19;
	v26 =	vld.idx.msk [tilespmem:v31+s17+$0x0], $0xffff;
	v15 =	vor.u32 $0x2, v17;
	[tilespmem:s12+$0x100] =	vst v24  }
0x6d: {  	s29 =	simm.s32 $0x200;
	s24 =	simm.s32 $0x8;
	v19 =	vor.u32 $0x1, v34;
	v17 =	vor.u32 $0x1, v27;
	v21 =	vor.u32 $0x2, v27;
	v28 =	vld.idx.msk [tilespmem:v8+s17+$0x0], $0xffff;
	s4 =	rddreg [dreg:$0x6];
	[tilespmem:s8+$0x80] =	vst v14  }
0x6e: {  	s7 =	sshll.u32 s26, $0x9;
	s1 =	sand.u32 $0x3FFFF800, s29;
	v16 =	vor.u32 $0x3, v27;
	v31 =	vor.u32 $0x1, v8;
	v24 =	vld.idx.msk [tilespmem:v33+s17+$0x0], $0xffff;
	v14 =	vor.u32 $0x3, v30;
	[tilespmem:s0+$0x80] =	vst v32;
	s19 =	sadd.s32 s4, s28  }
.LBB2_3:
0x6f: {  	s24 =	sadd.s32 $0x4, s24;
	s1 =	sor.u32 s7, s1;
	v27 =	vld.idx.msk [tilespmem:v27+s17+$0x0], $0xffff;
	[tilespmem:s6+$0x100] =	vst v23  }
0x70: {  	s7 =	sshrl.u32 s24, $0x3;
	p0 =	slt.u32 s24, $0xFC;
	s1 =	sadd.s32 $0x3120, s1;
	v23 =	vld.idx.msk [tilespmem:v30+s17+$0x0], $0xffff;
	[tilespmem:s15+$0x180] =	vst v25  }
0x71: {  	s18 =	sand.u32 $0x3, s7;
	s7 =	sshll.u32 s24, $0x2;
	s15 =	sadd.s32 s3, s1;
	v25 =	vld.idx.msk [tilespmem:v15+s17+$0x0], $0xffff;
	[tilespmem:s16+$0x180] =	vst v26;
	v15 =	vmov v21  }
0x72: {  	s13 =	sadd.s32 $0x40, s13;
	s3 =	sshll.u32 s18, $0xA;
	s7 =	sand.u32 $0x3FFFFF80, s7;
	[tilespmem:s15+$0x0] =	vst v28;
	v21 =	vld.idx.msk [tilespmem:v12+s17+$0x0], $0xffff;
	v12 =	vmov v22  }
0x73: {  	s3 =	sadd.s32 s7, s3;
	s7 =	sor.u32 s9, s1;
	s9 =	sand.u32 $0x40, s13;
	v22 =	vld.idx.msk [tilespmem:v31+s17+$0x0], $0xffff;
	[tilespmem:s12+$0x180] =	vst v24  }
0x74: {  	s12 =	sadd.s32 $0x120, s3;
	s16 =	sor.u32 $0x10, s9;
	s3 =	sor.u32 $0x30, s9;
	[tilespmem:s7+$0x0] =	vst v29;
	v24 =	vld.idx.msk [tilespmem:v11+s17+$0x0], $0xffff;
	v11 =	vmov v20  }
0x75: {  	s26 =	sor.u32 $0x20, s9;
	v20 =	vor.u32 $0x2, v8;
	s23 =	sor.u32 s9, s12;
	s29 =	sadd.s32 s3, s12;
	v19 =	vld.idx.msk [tilespmem:v19+s17+$0x0], $0xffff  }
0x76: {  	s11 =	sor.u32 s16, s12;
	s14 =	sadd.s32 s26, s12;
	v26 =	vld [tilespmem:s29+$0x0];
	s29 =	sor.u32 s30, s1  }
0x77: {  	s12 =	smov.u32 s15;
	s1 =	sadd.s32 s31, s1;
	s30 =	smov.u32 s16;
	v28 =	vld [tilespmem:s23+$0x0];
	[tilespmem:s29+$0x0] =	vst v27  }
0x78: {  	s15 =	smov.u32 s8;
	s31 =	smov.u32 s26;
	s8 =	smov.u32 s29;
	v27 =	vld [tilespmem:s11+$0x0];
	[tilespmem:s1+$0x0] =	vst v23  }
0x79: {  	s16 =	smov.u32 s0;
	s0 =	smov.u32 s1;
	v29 =	vld [tilespmem:s14+$0x0];
	[tilespmem:s12+$0x80] =	vst v22  }
0x7a: {  	v31 =	vld.idx.msk [tilespmem:v20+s17+$0x0], $0xffff;
	[tilespmem:s15+$0x100] =	vst v25  }
0x7b: {  	v32 =	vshll.u32 v26, $0x2;
	[tilespmem:s7+$0x80] =	vst v19;
	v33 =	vld.idx.msk [tilespmem:v17+s17+$0x0], $0xffff  }
0x7c: {  	v36 =	vor.u32 $0x3, v8;
	v34 =	vshll.u32 v28, $0x2;
	v35 =	vld.idx.msk [tilespmem:v18+s17+$0x0], $0xffff;
	[tilespmem:s16+$0x100] =	vst v21;
	v8 =	vmov v32  }
0x7d: {  	v19 =	vor.u32 $0x1, v34;
	v27 =	vshll.u32 v27, $0x2;
	v23 =	vld.idx.msk [tilespmem:v13+s17+$0x0], $0xffff;
	v13 =	vor.u32 $0x2, v34;
	[tilespmem:s6+$0x180] =	vst v24;
	s6 =	smov.u32 s7  }
.Ltmp0:
0x7e: {  	v17 =	vor.u32 $0x1, v27;
	v21 =	vor.u32 $0x2, v27;
	v30 =	vshll.u32 v29, $0x2;
	v25 =	vld.idx.msk [tilespmem:v9+s17+$0x0], $0xffff;
	v9 =	vmovc v16;
	(pc) =	sbr.rel @p0 .LBB2_3-.Ltmp0, $4  }
0x7f: {  	v20 =	vor.u32 $0x3, v34;
	v18 =	vor.u32 $0x1, v30;
	v22 =	vor.u32 $0x2, v30;
	v26 =	vld.idx.msk [tilespmem:v10+s17+$0x0], $0xffff;
	v10 =	vmovc v14  }
0x80: {  	v16 =	vor.u32 $0x3, v27;
	v14 =	vor.u32 $0x3, v30;
	v28 =	vld.idx.msk [tilespmem:v32+s17+$0x0], $0xffff;
	[tilespmem:s12+$0x100] =	vst v31  }
0x81: {  	s1 =	sshll.u32 s24, $0x6;
	[tilespmem:s8+$0x80] =	vst v33;
	v24 =	vld.idx.msk [tilespmem:v36+s17+$0x0], $0xffff  }
0x82: {  	s1 =	sand.u32 $0x3FFFF800, s1;
	s7 =	sshll.u32 s18, $0x9;
	v31 =	vor.u32 $0x1, v8;
	v29 =	vld.idx.msk [tilespmem:v34+s17+$0x0], $0xffff;
	[tilespmem:s0+$0x80] =	vst v35  }
0x83: {  	_ =	sdelay $0x3  }
0x84: {  	s1 =	sor.u32 s7, s1;
	v27 =	vld.idx.msk [tilespmem:v27+s17+$0x0], $0xffff;
	[tilespmem:s6+$0x100] =	vst v23  }
0x85: {  	v23 =	vld.idx.msk [tilespmem:v30+s17+$0x0], $0xffff;
	[tilespmem:s15+$0x180] =	vst v25;
	s1 =	sadd.s32 $0x3120, s1  }
0x86: {  	[tilespmem:s16+$0x180] =	vst v26;
	s3 =	sadd.s32 s3, s1  }
0x87: {  	v15 =	vld.idx.msk [tilespmem:v15+s17+$0x0], $0xffff;
	s4 =	sor.u32 s9, s1;
	[tilespmem:s3+$0x0] =	vst v28  }
0x88: {  	s5 =	sor.u32 s30, s1;
	v25 =	vld.idx.msk [tilespmem:v31+s17+$0x0], $0xffff;
	[tilespmem:s4+$0x0] =	vst v29  }
0x89: {  	v26 =	vor.u32 $0x2, v8;
	s1 =	sadd.s32 s31, s1;
	v19 =	vld.idx.msk [tilespmem:v19+s17+$0x0], $0xffff;
	[tilespmem:s5+$0x0] =	vst v27  }
0x8a: {  	[tilespmem:s1+$0x0] =	vst v23;
	v17 =	vld.idx.msk [tilespmem:v17+s17+$0x0], $0xffff  }
0x8b: {  	[tilespmem:s12+$0x180] =	vst v24;
	v18 =	vld.idx.msk [tilespmem:v18+s17+$0x0], $0xffff  }
0x8c: {  	v12 =	vld.idx.msk [tilespmem:v12+s17+$0x0], $0xffff;
	[tilespmem:s8+$0x100] =	vst v15  }
0x8d: {  	v11 =	vld.idx.msk [tilespmem:v11+s17+$0x0], $0xffff;
	[tilespmem:s3+$0x80] =	vst v25  }
0x8e: {  	v15 =	vld.idx.msk [tilespmem:v26+s17+$0x0], $0xffff;
	[tilespmem:s4+$0x80] =	vst v19  }
0x8f: {  	v8 =	vor.u32 $0x3, v8;
	v13 =	vld.idx.msk [tilespmem:v13+s17+$0x0], $0xffff;
	[tilespmem:s5+$0x80] =	vst v17  }
0x90: {  	[tilespmem:s1+$0x80] =	vst v18;
	v17 =	vld.idx.msk [tilespmem:v21+s17+$0x0], $0xffff  }
0x91: {  	[tilespmem:s0+$0x100] =	vst v12;
	v12 =	vld.idx.msk [tilespmem:v22+s17+$0x0], $0xffff  }
0x92: {  	[tilespmem:s6+$0x180] =	vst v11;
	v9 =	vld.idx.msk [tilespmem:v9+s17+$0x0], $0xffff  }
0x93: {  	v10 =	vld.idx.msk [tilespmem:v10+s17+$0x0], $0xffff;
	[tilespmem:s3+$0x100] =	vst v15  }
0x94: {  	v8 =	vld.idx.msk [tilespmem:v8+s17+$0x0], $0xffff;
	[tilespmem:s4+$0x100] =	vst v13  }
0x95: {  	v11 =	vld.idx.msk [tilespmem:v20+s17+$0x0], $0xffff;
	[tilespmem:s5+$0x100] =	vst v17  }
0x96: {  	[tilespmem:s1+$0x100] =	vst v12;
	v12 =	vld.idx.msk [tilespmem:v16+s17+$0x0], $0xffff  }
0x97: {  	[tilespmem:s8+$0x180] =	vst v9;
	v9 =	vld.idx.msk [tilespmem:v14+s17+$0x0], $0xffff  }
0x98: {  	s11 =	sshll.u32 s19, $0xB;
	[tilespmem:s0+$0x180] =	vst v10  }
0x99: {  	s28 =	smov.u32 s25;
	s14 =	simm.s32 $0x0;
	s8 =	sshll.u32 s19, $0x8;
	[tilespmem:s3+$0x180] =	vst v8  }
0x9a: {  	s15 =	simm.s32 $0x2120;
	s0 =	sand.u32 $0x1F00, s8;
	[tilespmem:s4+$0x180] =	vst v11;
	s4 =	rddreg [dreg:$0x3]  }
0x9b: {  	s6 =	sadd.s32 $0x2, s19;
	s3 =	sand.u32 $0xFFF0000, s11;
	[tilespmem:s5+$0x180] =	vst v12;
	s0 =	sadd.s32 s4, s0  }
0x9c: {  	s12 =	simm.s32 $0x3120;
	s13 =	sshll.u32 s6, $0x9;
	[tilespmem:s1+$0x180] =	vst v9;
	s0 =	sadd.s32 s3, s0  }
0x9d: {  	[hbm4b:s0+s21] =	stream.strided.scatter [tilespmem:s12], [sflag:$0x4], $0x4000, s22, s21, $0x38;
	[tilespmem:$0xF120] =	vst v63  }
0x9e: {  	s18 =	simm.s32 $0x0;
	s23 =	simm.s32 $0x0;
	s0 =	sand.u32 $0x1FFFFE00, s13  }
0x9f: {  	s16 =	simm.s32 $0x2;
	s8 =	sadd.s32 $0x1, s19;
	s0 =	sadd.s32 s25, s0  }
0xa0: {  	[tilespmem:s15], [sflag:$0x3] =	stream.linear.gather [hbm4b:s0+s14], $0x1000, $0x38;
	[tilespmem:$0xF120] =	vst v63  }
0xa1: {  	s24 =	simm.s32 $0x0;
	p0 =	slt.u32 s8, s10;
	_ =	swait.ge [sflag:s16], $0x1000  }
0xa2: {  	s1 =	simm.s32 @!p0 $0x5;
	s0 =	sand.u32 $0x3, s18;
	[sflag:s16] =	ssyncset.done $0x0  }
0xa3: {  	s3 =	sand.u32 $0x3FFFFF80, s23;
	s25 =	sshll.u32 s0, $0xA;
	[sflag:s16] =	ssyncadd.s32 $0xFFFFF000  }
0xa4: {  	s11 =	sand.u32 $0x40, s24;
	s3 =	sadd.s32 s3, s25;
	_ =	swait.ge @!p0 [sflag:s1], $0x4000  }
0xa5: {  	s7 =	sor.u32 $0x30, s11;
	s3 =	sadd.s32 $0x120, s3;
	[sflag:s1] =	ssyncset.done @!p0 $0x0  }
0xa6: {  	s26 =	sadd.s32 s7, s3;
	[sflag:s1] =	ssyncadd.s32 @!p0 $0xFFFFC000  }
0xa7: {  	v8 =	vld [tilespmem:s26+$0x1000]  }
0xa8: {  	s9 =	sor.u32 $0x10, s11;
	s24 =	sor.u32 $0x20, s11;
	s4 =	sor.u32 s11, s3  }
0xa9: {  	s12 =	simm.s32 $0x0;
	s15 =	simm.s32 $0x10;
	s0 =	sshll.u32 s0, $0x9;
	v9 =	vld [tilespmem:s4+$0x1000]  }
0xaa: {  	s13 =	simm.s32 $0x0;
	s18 =	sand.u32 $0x3FFFFF80, s15;
	s1 =	sand.u32 $0x3FFFF800, s12  }
0xab: {  	s5 =	sor.u32 s9, s3;
	s0 =	sor.u32 s0, s1;
	s1 =	sand.u32 $0x3, s13  }
0xac: {  	s25 =	simm.s32 $0x40;
	s3 =	sadd.s32 s24, s3;
	v10 =	vld [tilespmem:s5+$0x1000];
	s16 =	sshll.u32 s1, $0xA;
	v8 =	vshll.u32 v8, $0x2  }
0xad: {  	v11 =	vld [tilespmem:s3+$0x1000];
	s14 =	sadd.s32 $0x7120, s0;
	s0 =	sand.u32 $0x40, s25;
	s3 =	sadd.s32 s18, s16  }
0xae: {  	s15 =	sor.u32 $0x10, s0;
	s3 =	sadd.s32 $0x120, s3;
	v9 =	vshll.u32 v9, $0x2  }
0xaf: {  	s5 =	sor.u32 s15, s3  }
0xb0: {  	v20 =	vld [tilespmem:s5+$0x1000]  }
0xb1: {  	v10 =	vshll.u32 v10, $0x2;
	v12 =	vld.idx.msk [tilespmem:v8+s17+$0x0], $0xffff  }
0xb2: {  	v13 =	vor.u32 $0x1, v8  }
0xb3: {  	v14 =	vld.idx.msk [tilespmem:v9+s17+$0x0], $0xffff  }
0xb4: {  	s4 =	sor.u32 s0, s3  }
0xb5: {  	s23 =	sadd.s32 s7, s14;
	v11 =	vshll.u32 v11, $0x2;
	v19 =	vld [tilespmem:s4+$0x1000]  }
0xb6: {  	s7 =	sor.u32 $0x30, s0;
	v16 =	vld.idx.msk [tilespmem:v10+s17+$0x0], $0xffff;
	v20 =	vshll.u32 v20, $0x2;
	[tilespmem:s23+$0x0] =	vst v12  }
0xb7: {  	s29 =	sor.u32 s11, s14;
	s26 =	sadd.s32 s7, s3;
	v15 =	vor.u32 $0x1, v9;
	v12 =	vld.idx.msk [tilespmem:v13+s17+$0x0], $0xffff  }
0xb8: {  	s13 =	simm.s32 $0x1;
	[tilespmem:s29+$0x0] =	vst v14;
	v14 =	vld [tilespmem:s26+$0x1000];
	v13 =	vor.u32 $0x2, v8  }
0xb9: {  	s25 =	simm.s32 $0x20;
	s18 =	sand.u32 $0x3, s13;
	v18 =	vor.u32 $0x1, v10  }
0xba: {  	s4 =	sshll.u32 s18, $0xA;
	s5 =	sand.u32 $0x3FFFFF80, s25;
	v17 =	vld.idx.msk [tilespmem:v11+s17+$0x0], $0xffff  }
0xbb: {  	s12 =	simm.s32 $0x80;
	s16 =	sor.u32 $0x20, s0;
	s11 =	sadd.s32 s5, s4;
	v29 =	vld.idx.msk [tilespmem:v20+s17+$0x0], $0xffff  }
0xbc: {  	v19 =	vshll.u32 v19, $0x2;
	s26 =	sadd.s32 s16, s3;
	s3 =	sor.u32 s9, s14;
	s9 =	sand.u32 $0x40, s12;
	v15 =	vld.idx.msk [tilespmem:v15+s17+$0x0], $0xffff;
	[tilespmem:s23+$0x80] =	vst v12  }
0xbd: {  	s11 =	sadd.s32 $0x120, s11;
	[tilespmem:s3+$0x0] =	vst v16;
	s30 =	sor.u32 $0x30, s9;
	v12 =	vld.idx.msk [tilespmem:v13+s17+$0x0], $0xffff;
	v13 =	vshll.u32 v14, $0x2  }
0xbe: {  	s13 =	sor.u32 $0x10, s9;
	s4 =	sor.u32 s9, s11;
	s31 =	sor.u32 $0x20, s9;
	v14 =	vld.idx.msk [tilespmem:v18+s17+$0x0], $0xffff;
	v18 =	vor.u32 $0x1, v11  }
0xbf: {  	v21 =	vld [tilespmem:s26+$0x1000];
	v8 =	vor.u32 $0x3, v8;
	s25 =	sadd.s32 s30, s11;
	s5 =	sor.u32 s13, s11;
	s11 =	sadd.s32 s31, s11  }
0xc0: {  	v28 =	vld [tilespmem:s11+$0x1000]  }
0xc1: {  	s26 =	sadd.s32 s24, s14;
	s24 =	simm.s32 $0x100;
	[tilespmem:s29+$0x80] =	vst v15;
	v15 =	vld.idx.msk [tilespmem:v19+s17+$0x0], $0xffff  }
0xc2: {  	s1 =	sshll.u32 s1, $0x9;
	[tilespmem:s26+$0x0] =	vst v17;
	s11 =	sand.u32 $0x3FFFF800, s24;
	v25 =	vld.idx.msk [tilespmem:v13+s17+$0x0], $0xffff  }
0xc3: {  	v23 =	vor.u32 $0x2, v9;
	s1 =	sor.u32 s1, s11;
	[tilespmem:s23+$0x100] =	vst v12;
	v17 =	vld.idx.msk [tilespmem:v18+s17+$0x0], $0xffff  }
0xc4: {  	s1 =	sadd.s32 $0x7120, s1;
	v18 =	vshll.u32 v21, $0x2;
	v21 =	vor.u32 $0x2, v10;
	v8 =	vld.idx.msk [tilespmem:v8+s17+$0x0], $0xffff  }
0xc5: {  	v26 =	vor.u32 $0x1, v19;
	v22 =	vld [tilespmem:s4+$0x1000];
	s0 =	sor.u32 s0, s1  }
0xc6: {  	v16 =	vld [tilespmem:s25+$0x1000];
	[tilespmem:s0+$0x0] =	vst v15;
	v12 =	vor.u32 $0x1, v13  }
0xc7: {  	v24 =	vld [tilespmem:s5+$0x1000];
	s24 =	sadd.s32 s7, s1;
	[tilespmem:s3+$0x80] =	vst v14  }
0xc8: {  	v27 =	vor.u32 $0x2, v11;
	v23 =	vld.idx.msk [tilespmem:v23+s17+$0x0], $0xffff;
	[tilespmem:s24+$0x0] =	vst v25  }
0xc9: {  	v21 =	vld.idx.msk [tilespmem:v21+s17+$0x0], $0xffff;
	[tilespmem:s23+$0x180] =	vst v8;
	v8 =	vor.u32 $0x3, v9  }
0xca: {  	v25 =	vor.u32 $0x1, v20;
	[tilespmem:s26+$0x80] =	vst v17;
	v17 =	vld.idx.msk [tilespmem:v26+s17+$0x0], $0xffff  }
0xcb: {  	v26 =	vor.u32 $0x2, v19;
	v9 =	vld.idx.msk [tilespmem:v12+s17+$0x0], $0xffff  }
0xcc: {  	v14 =	vor.u32 $0x2, v13;
	v12 =	vld.idx.msk [tilespmem:v18+s17+$0x0], $0xffff  }
0xcd: {  	s15 =	sor.u32 s15, s1;
	[tilespmem:s29+$0x100] =	vst v23;
	v15 =	vor.u32 $0x1, v18;
	v27 =	vld.idx.msk [tilespmem:v27+s17+$0x0], $0xffff  }
0xce: {  	v30 =	vor.u32 $0x3, v10;
	[tilespmem:s15+$0x0] =	vst v29;
	v31 =	vld.idx.msk [tilespmem:v8+s17+$0x0], $0xffff  }
0xcf: {  	v35 =	vshll.u32 v22, $0x2;
	[tilespmem:s0+$0x80] =	vst v17;
	v8 =	vshll.u32 v16, $0x2;
	v16 =	vld.idx.msk [tilespmem:v25+s17+$0x0], $0xffff  }
0xd0: {  	v32 =	vor.u32 $0x3, v11;
	s16 =	sadd.s32 s16, s1;
	[tilespmem:s24+$0x80] =	vst v9;
	v23 =	vld.idx.msk [tilespmem:v26+s17+$0x0], $0xffff  }
0xd1: {  	[tilespmem:s16+$0x0] =	vst v12;
	v14 =	vld.idx.msk [tilespmem:v14+s17+$0x0], $0xffff  }
0xd2: {  	v11 =	vor.u32 $0x3, v19;
	v34 =	vor.u32 $0x3, v13;
	v13 =	vor.u32 $0x2, v18;
	[tilespmem:s3+$0x100] =	vst v21;
	v33 =	vld.idx.msk [tilespmem:v15+s17+$0x0], $0xffff  }
0xd3: {  	v10 =	vor.u32 $0x3, v18;
	v19 =	vor.u32 $0x1, v35;
	[tilespmem:s26+$0x100] =	vst v27;
	v25 =	vld.idx.msk [tilespmem:v30+s17+$0x0], $0xffff;
	v27 =	vshll.u32 v24, $0x2  }
0xd4: {  	v9 =	vor.u32 $0x3, v20;
	v12 =	vor.u32 $0x2, v35;
	v30 =	vshll.u32 v28, $0x2;
	v28 =	vld.idx.msk [tilespmem:v35+s17+$0x0], $0xffff;
	[tilespmem:s29+$0x180] =	vst v31  }
0xd5: {  	v15 =	vor.u32 $0x2, v20;
	v26 =	vld.idx.msk [tilespmem:v32+s17+$0x0], $0xffff;
	v17 =	vor.u32 $0x1, v27;
	v21 =	vor.u32 $0x2, v27;
	[tilespmem:s15+$0x80] =	vst v16  }
0xd6: {  	s25 =	simm.s32 $0x200;
	v20 =	vor.u32 $0x3, v35;
	v18 =	vor.u32 $0x1, v30;
	v22 =	vor.u32 $0x2, v30;
	v29 =	vld.idx.msk [tilespmem:v8+s17+$0x0], $0xffff;
	[tilespmem:s24+$0x100] =	vst v14  }
0xd7: {  	s1 =	sand.u32 $0x3FFFF800, s25;
	s7 =	sshll.u32 s18, $0x9;
	s29 =	simm.s32 $0x8;
	v16 =	vor.u32 $0x3, v27;
	v31 =	vor.u32 $0x1, v8;
	v14 =	vor.u32 $0x3, v30;
	[tilespmem:s16+$0x80] =	vst v33;
	v24 =	vld.idx.msk [tilespmem:v34+s17+$0x0], $0xffff  }
.LBB2_5:
0xd8: {  	s29 =	sadd.s32 $0x4, s29;
	s1 =	sor.u32 s7, s1;
	v27 =	vld.idx.msk [tilespmem:v27+s17+$0x0], $0xffff;
	[tilespmem:s0+$0x100] =	vst v23  }
0xd9: {  	s7 =	sshrl.u32 s29, $0x3;
	p0 =	slt.u32 s29, $0xFC;
	s1 =	sadd.s32 $0x7120, s1;
	v23 =	vld.idx.msk [tilespmem:v30+s17+$0x0], $0xffff;
	[tilespmem:s3+$0x180] =	vst v25  }
0xda: {  	s3 =	sshll.u32 s29, $0x2;
	s18 =	sand.u32 $0x3, s7;
	s7 =	sadd.s32 s30, s1;
	v25 =	vld.idx.msk [tilespmem:v15+s17+$0x0], $0xffff;
	[tilespmem:s26+$0x180] =	vst v26;
	v15 =	vmov v21  }
0xdb: {  	s12 =	sadd.s32 $0x40, s12;
	s3 =	sand.u32 $0x3FFFFF80, s3;
	s11 =	sshll.u32 s18, $0xA;
	[tilespmem:s7+$0x0] =	vst v29;
	v21 =	vld.idx.msk [tilespmem:v13+s17+$0x0], $0xffff;
	v13 =	vmov v22  }
0xdc: {  	s3 =	sadd.s32 s3, s11;
	s11 =	sor.u32 s9, s1;
	s9 =	sand.u32 $0x40, s12;
	v22 =	vld.idx.msk [tilespmem:v31+s17+$0x0], $0xffff;
	[tilespmem:s24+$0x180] =	vst v24  }
0xdd: {  	s3 =	sadd.s32 $0x120, s3;
	s14 =	sor.u32 $0x10, s9;
	s30 =	sor.u32 $0x30, s9;
	[tilespmem:s11+$0x0] =	vst v28;
	v24 =	vld.idx.msk [tilespmem:v11+s17+$0x0], $0xffff;
	v11 =	vmov v20  }
0xde: {  	s26 =	sor.u32 $0x20, s9;
	v20 =	vor.u32 $0x2, v8;
	s23 =	sor.u32 s9, s3;
	s24 =	sadd.s32 s30, s3;
	v19 =	vld.idx.msk [tilespmem:v19+s17+$0x0], $0xffff  }
0xdf: {  	s25 =	sor.u32 s13, s1;
	s5 =	sor.u32 s14, s3;
	s4 =	sadd.s32 s26, s3;
	v26 =	vld [tilespmem:s24+$0x1000]  }
0xe0: {  	s1 =	sadd.s32 s31, s1;
	s13 =	smov.u32 s14;
	s24 =	smov.u32 s7;
	v28 =	vld [tilespmem:s23+$0x1000];
	[tilespmem:s25+$0x0] =	vst v27  }
0xe1: {  	s31 =	smov.u32 s26;
	s3 =	smov.u32 s15;
	s15 =	smov.u32 s25;
	v27 =	vld [tilespmem:s5+$0x1000];
	[tilespmem:s1+$0x0] =	vst v23  }
0xe2: {  	s26 =	smov.u32 s16;
	s16 =	smov.u32 s1;
	v29 =	vld [tilespmem:s4+$0x1000];
	[tilespmem:s24+$0x80] =	vst v22  }
0xe3: {  	v31 =	vld.idx.msk [tilespmem:v20+s17+$0x0], $0xffff;
	[tilespmem:s3+$0x100] =	vst v25  }
0xe4: {  	v32 =	vshll.u32 v26, $0x2;
	[tilespmem:s11+$0x80] =	vst v19;
	v33 =	vld.idx.msk [tilespmem:v17+s17+$0x0], $0xffff  }
0xe5: {  	v35 =	vor.u32 $0x3, v8;
	v28 =	vshll.u32 v28, $0x2;
	v34 =	vld.idx.msk [tilespmem:v18+s17+$0x0], $0xffff;
	[tilespmem:s26+$0x100] =	vst v21;
	v8 =	vmov v32  }
0xe6: {  	v19 =	vor.u32 $0x1, v28;
	v27 =	vshll.u32 v27, $0x2;
	v23 =	vld.idx.msk [tilespmem:v12+s17+$0x0], $0xffff;
	v12 =	vor.u32 $0x2, v28;
	[tilespmem:s0+$0x180] =	vst v24;
	s0 =	smov.u32 s11  }
.Ltmp1:
0xe7: {  	v17 =	vor.u32 $0x1, v27;
	v21 =	vor.u32 $0x2, v27;
	v30 =	vshll.u32 v29, $0x2;
	v25 =	vld.idx.msk [tilespmem:v9+s17+$0x0], $0xffff;
	v9 =	vmovc v16;
	(pc) =	sbr.rel @p0 .LBB2_5-.Ltmp1, $4  }
0xe8: {  	v20 =	vor.u32 $0x3, v28;
	v18 =	vor.u32 $0x1, v30;
	v22 =	vor.u32 $0x2, v30;
	v26 =	vld.idx.msk [tilespmem:v10+s17+$0x0], $0xffff;
	v10 =	vmovc v14  }
0xe9: {  	v16 =	vor.u32 $0x3, v27;
	v14 =	vor.u32 $0x3, v30;
	v29 =	vld.idx.msk [tilespmem:v32+s17+$0x0], $0xffff;
	[tilespmem:s24+$0x100] =	vst v31  }
0xea: {  	s1 =	sshll.u32 s29, $0x6;
	[tilespmem:s15+$0x80] =	vst v33;
	v24 =	vld.idx.msk [tilespmem:v35+s17+$0x0], $0xffff  }
0xeb: {  	s7 =	sshll.u32 s18, $0x9;
	s1 =	sand.u32 $0x3FFFF800, s1;
	v31 =	vor.u32 $0x1, v8;
	v28 =	vld.idx.msk [tilespmem:v28+s17+$0x0], $0xffff;
	[tilespmem:s16+$0x80] =	vst v34  }
0xec: {  	_ =	sdelay $0x3  }
0xed: {  	s1 =	sor.u32 s7, s1;
	v27 =	vld.idx.msk [tilespmem:v27+s17+$0x0], $0xffff;
	[tilespmem:s0+$0x100] =	vst v23  }
0xee: {  	v23 =	vld.idx.msk [tilespmem:v30+s17+$0x0], $0xffff;
	[tilespmem:s3+$0x180] =	vst v25;
	s1 =	sadd.s32 $0x7120, s1  }
0xef: {  	[tilespmem:s26+$0x180] =	vst v26;
	s7 =	sadd.s32 s30, s1  }
0xf0: {  	v15 =	vld.idx.msk [tilespmem:v15+s17+$0x0], $0xffff;
	s4 =	sor.u32 s9, s1;
	[tilespmem:s7+$0x0] =	vst v29  }
0xf1: {  	s5 =	sor.u32 s13, s1;
	v25 =	vld.idx.msk [tilespmem:v31+s17+$0x0], $0xffff;
	[tilespmem:s4+$0x0] =	vst v28  }
0xf2: {  	v26 =	vor.u32 $0x2, v8;
	s1 =	sadd.s32 s31, s1;
	v19 =	vld.idx.msk [tilespmem:v19+s17+$0x0], $0xffff;
	[tilespmem:s5+$0x0] =	vst v27  }
0xf3: {  	[tilespmem:s1+$0x0] =	vst v23;
	v17 =	vld.idx.msk [tilespmem:v17+s17+$0x0], $0xffff  }
0xf4: {  	[tilespmem:s24+$0x180] =	vst v24;
	v18 =	vld.idx.msk [tilespmem:v18+s17+$0x0], $0xffff  }
0xf5: {  	v13 =	vld.idx.msk [tilespmem:v13+s17+$0x0], $0xffff;
	[tilespmem:s15+$0x100] =	vst v15  }
0xf6: {  	v11 =	vld.idx.msk [tilespmem:v11+s17+$0x0], $0xffff;
	[tilespmem:s7+$0x80] =	vst v25  }
0xf7: {  	v15 =	vld.idx.msk [tilespmem:v26+s17+$0x0], $0xffff;
	[tilespmem:s4+$0x80] =	vst v19  }
0xf8: {  	v8 =	vor.u32 $0x3, v8;
	v12 =	vld.idx.msk [tilespmem:v12+s17+$0x0], $0xffff;
	[tilespmem:s5+$0x80] =	vst v17  }
0xf9: {  	[tilespmem:s1+$0x80] =	vst v18;
	v17 =	vld.idx.msk [tilespmem:v21+s17+$0x0], $0xffff  }
0xfa: {  	[tilespmem:s16+$0x100] =	vst v13;
	v13 =	vld.idx.msk [tilespmem:v22+s17+$0x0], $0xffff  }
0xfb: {  	[tilespmem:s0+$0x180] =	vst v11;
	v9 =	vld.idx.msk [tilespmem:v9+s17+$0x0], $0xffff  }
0xfc: {  	v10 =	vld.idx.msk [tilespmem:v10+s17+$0x0], $0xffff;
	[tilespmem:s7+$0x100] =	vst v15  }
0xfd: {  	v8 =	vld.idx.msk [tilespmem:v8+s17+$0x0], $0xffff;
	[tilespmem:s4+$0x100] =	vst v12  }
0xfe: {  	v11 =	vld.idx.msk [tilespmem:v20+s17+$0x0], $0xffff;
	[tilespmem:s5+$0x100] =	vst v17  }
0xff: {  	[tilespmem:s1+$0x100] =	vst v13;
	v12 =	vld.idx.msk [tilespmem:v16+s17+$0x0], $0xffff  }
0x100: {  	[tilespmem:s15+$0x180] =	vst v9;
	v9 =	vld.idx.msk [tilespmem:v14+s17+$0x0], $0xffff  }
0x101: {  	[tilespmem:s16+$0x180] =	vst v10  }
0x102: {  	s9 =	sshll.u32 s8, $0x8;
	[tilespmem:s7+$0x180] =	vst v8  }
0x103: {  	s11 =	sshll.u32 s8, $0xB;
	s12 =	rddreg [dreg:$0x3];
	s0 =	sand.u32 $0x1F00, s9;
	[tilespmem:s4+$0x180] =	vst v11  }
0x104: {  	s14 =	sshll.u32 s19, $0x9;
	s3 =	sand.u32 $0xFFF0000, s11;
	s0 =	sadd.s32 s12, s0;
	[tilespmem:s5+$0x180] =	vst v12  }
0x105: {  	s18 =	simm.s32 $0x120;
	s13 =	simm.s32 $0x7120;
	s0 =	sadd.s32 s3, s0;
	[tilespmem:s1+$0x180] =	vst v9  }
0x106: {  	[hbm4b:s0+s21] =	stream.strided.scatter [tilespmem:s13], [sflag:$0x5], $0x4000, s22, s21, $0x38;
	[tilespmem:$0xF120] =	vst v63  }
0x107: {  	s23 =	simm.s32 $0x3;
	p0 =	slt.u32 s6, s10;
	s15 =	rddreg [dreg:$0xc]  }
0x108: {  	s25 =	simm.s32 $0x0;
	s16 =	simm.s32 $0x0;
	s0 =	sadd.s32 s15, s14  }
0x109: {  	[tilespmem:s18], [sflag:$0x1] =	stream.linear.gather [hbm4b:s0+s16], $0x1000, $0x38;
	[tilespmem:$0xF120] =	vst v63  }
0x10a: {  	s26 =	simm.s32 $0x0;
	s24 =	simm.s32 $0x0;
	_ =	swait.ge [sflag:s23], $0x1000  }
0x10b: {  	s3 =	sand.u32 $0x3FFFFF80, s25;
	s0 =	sand.u32 $0x3, s24;
	[sflag:s23] =	ssyncset.done $0x0  }
0x10c: {  	s1 =	simm.s32 @!p0 $0x6;
	s31 =	sshll.u32 s0, $0xA;
	[sflag:s23] =	ssyncadd.s32 $0xFFFFF000  }
0x10d: {  	s4 =	sand.u32 $0x40, s26;
	s3 =	sadd.s32 s3, s31;
	_ =	swait.ge @!p0 [sflag:s1], $0x4000  }
0x10e: {  	s7 =	sor.u32 $0x30, s4;
	s3 =	sadd.s32 $0x120, s3;
	[sflag:s1] =	ssyncset.done @!p0 $0x0  }
0x10f: {  	s8 =	sadd.s32 s7, s3;
	[sflag:s1] =	ssyncadd.s32 @!p0 $0xFFFFC000  }
0x110: {  	v8 =	vld [tilespmem:s8+$0x2000]  }
0x111: {  	s9 =	sor.u32 s4, s3  }
0x112: {  	v9 =	vld [tilespmem:s9+$0x2000]  }
0x113: {  	s8 =	sor.u32 $0x10, s4  }
0x114: {  	s11 =	sor.u32 s8, s3  }
0x115: {  	v10 =	vld [tilespmem:s11+$0x2000];
	v8 =	vshll.u32 v8, $0x2  }
0x116: {  	s12 =	simm.s32 $0x0;
	s13 =	simm.s32 $0x0;
	s14 =	simm.s32 $0x10  }
0x117: {  	s24 =	sor.u32 $0x20, s4;
	s0 =	sshll.u32 s0, $0x9;
	s1 =	sand.u32 $0x3FFFF800, s12;
	v9 =	vshll.u32 v9, $0x2  }
0x118: {  	s0 =	sor.u32 s0, s1;
	s1 =	sand.u32 $0x3, s13;
	s3 =	sadd.s32 s24, s3  }
0x119: {  	s16 =	sand.u32 $0x3FFFFF80, s14;
	s15 =	sshll.u32 s1, $0xA;
	v11 =	vld [tilespmem:s3+$0x2000]  }
0x11a: {  	s18 =	simm.s32 $0x40;
	s3 =	sadd.s32 s16, s15;
	v10 =	vshll.u32 v10, $0x2;
	v12 =	vld.idx.msk [tilespmem:v8+s17+$0x0], $0xffff  }
0x11b: {  	s11 =	sadd.s32 $0xB120, s0;
	s0 =	sand.u32 $0x40, s18;
	s3 =	sadd.s32 $0x120, s3;
	v13 =	vor.u32 $0x1, v8  }
0x11c: {  	s15 =	sor.u32 $0x10, s0;
	s26 =	sor.u32 s0, s3;
	v14 =	vld.idx.msk [tilespmem:v9+s17+$0x0], $0xffff  }
0x11d: {  	s31 =	sor.u32 s15, s3;
	v19 =	vld [tilespmem:s26+$0x2000]  }
0x11e: {  	s13 =	simm.s32 $0x1;
	s23 =	sadd.s32 s7, s11;
	v20 =	vld [tilespmem:s31+$0x2000];
	v11 =	vshll.u32 v11, $0x2  }
0x11f: {  	s14 =	simm.s32 $0x20;
	s18 =	sand.u32 $0x3, s13;
	s7 =	sor.u32 $0x30, s0;
	v15 =	vor.u32 $0x1, v9;
	v16 =	vld.idx.msk [tilespmem:v10+s17+$0x0], $0xffff;
	[tilespmem:s23+$0x0] =	vst v12  }
0x120: {  	s29 =	sor.u32 s4, s11;
	s16 =	sor.u32 $0x20, s0;
	s25 =	sadd.s32 s7, s3;
	v12 =	vld.idx.msk [tilespmem:v13+s17+$0x0], $0xffff  }
0x121: {  	s12 =	sadd.s32 s16, s3;
	s26 =	sand.u32 $0x3FFFFF80, s14;
	[tilespmem:s29+$0x0] =	vst v14;
	v14 =	vld [tilespmem:s25+$0x2000];
	s25 =	sshll.u32 s18, $0xA;
	v13 =	vor.u32 $0x2, v8  }
0x122: {  	s9 =	simm.s32 $0x80;
	v21 =	vld [tilespmem:s12+$0x2000];
	v18 =	vor.u32 $0x1, v10;
	s4 =	sadd.s32 s26, s25  }
0x123: {  	s3 =	sor.u32 s8, s11;
	s8 =	sand.u32 $0x40, s9;
	v17 =	vld.idx.msk [tilespmem:v11+s17+$0x0], $0xffff;
	s4 =	sadd.s32 $0x120, s4  }
0x124: {  	v15 =	vld.idx.msk [tilespmem:v15+s17+$0x0], $0xffff;
	s13 =	sor.u32 s8, s4  }
0x125: {  	v19 =	vshll.u32 v19, $0x2;
	v22 =	vld [tilespmem:s13+$0x2000];
	[tilespmem:s23+$0x80] =	vst v12  }
0x126: {  	[tilespmem:s3+$0x0] =	vst v16;
	v12 =	vld.idx.msk [tilespmem:v13+s17+$0x0], $0xffff;
	v13 =	vshll.u32 v14, $0x2  }
0x127: {  	s30 =	sor.u32 $0x30, s8;
	s12 =	sor.u32 $0x10, s8;
	s13 =	sor.u32 $0x20, s8;
	v14 =	vld.idx.msk [tilespmem:v18+s17+$0x0], $0xffff;
	v18 =	vor.u32 $0x1, v11  }
0x128: {  	v8 =	vor.u32 $0x3, v8;
	s31 =	sadd.s32 s30, s4;
	s14 =	sor.u32 s12, s4;
	s4 =	sadd.s32 s13, s4  }
0x129: {  	v20 =	vshll.u32 v20, $0x2;
	v28 =	vld [tilespmem:s4+$0x2000]  }
0x12a: {  	s26 =	sadd.s32 s24, s11;
	s25 =	simm.s32 $0x100;
	[tilespmem:s29+$0x80] =	vst v15;
	v15 =	vld.idx.msk [tilespmem:v19+s17+$0x0], $0xffff  }
0x12b: {  	s1 =	sshll.u32 s1, $0x9;
	[tilespmem:s26+$0x0] =	vst v17;
	s4 =	sand.u32 $0x3FFFF800, s25;
	v25 =	vld.idx.msk [tilespmem:v13+s17+$0x0], $0xffff  }
0x12c: {  	v23 =	vor.u32 $0x2, v9;
	s1 =	sor.u32 s1, s4;
	[tilespmem:s23+$0x100] =	vst v12;
	v17 =	vld.idx.msk [tilespmem:v18+s17+$0x0], $0xffff  }
0x12d: {  	s1 =	sadd.s32 $0xB120, s1;
	v18 =	vshll.u32 v21, $0x2;
	v21 =	vor.u32 $0x2, v10;
	v8 =	vld.idx.msk [tilespmem:v8+s17+$0x0], $0xffff  }
0x12e: {  	v26 =	vor.u32 $0x1, v19;
	v29 =	vld.idx.msk [tilespmem:v20+s17+$0x0], $0xffff;
	s0 =	sor.u32 s0, s1  }
0x12f: {  	v16 =	vld [tilespmem:s31+$0x2000];
	[tilespmem:s0+$0x0] =	vst v15;
	v12 =	vor.u32 $0x1, v13  }
0x130: {  	v24 =	vld [tilespmem:s14+$0x2000];
	s24 =	sadd.s32 s7, s1;
	[tilespmem:s3+$0x80] =	vst v14  }
0x131: {  	v27 =	vor.u32 $0x2, v11;
	v23 =	vld.idx.msk [tilespmem:v23+s17+$0x0], $0xffff;
	[tilespmem:s24+$0x0] =	vst v25  }
0x132: {  	v21 =	vld.idx.msk [tilespmem:v21+s17+$0x0], $0xffff;
	[tilespmem:s23+$0x180] =	vst v8;
	v8 =	vor.u32 $0x3, v9  }
0x133: {  	v25 =	vor.u32 $0x1, v20;
	[tilespmem:s26+$0x80] =	vst v17;
	v17 =	vld.idx.msk [tilespmem:v26+s17+$0x0], $0xffff  }
0x134: {  	v26 =	vor.u32 $0x2, v19;
	v9 =	vld.idx.msk [tilespmem:v12+s17+$0x0], $0xffff  }
0x135: {  	v14 =	vor.u32 $0x2, v13;
	v12 =	vld.idx.msk [tilespmem:v18+s17+$0x0], $0xffff  }
0x136: {  	s15 =	sor.u32 s15, s1;
	[tilespmem:s29+$0x100] =	vst v23;
	v15 =	vor.u32 $0x1, v18;
	v27 =	vld.idx.msk [tilespmem:v27+s17+$0x0], $0xffff  }
0x137: {  	v30 =	vor.u32 $0x3, v10;
	[tilespmem:s15+$0x0] =	vst v29;
	v31 =	vld.idx.msk [tilespmem:v8+s17+$0x0], $0xffff  }
0x138: {  	v35 =	vshll.u32 v22, $0x2;
	[tilespmem:s0+$0x80] =	vst v17;
	v8 =	vshll.u32 v16, $0x2;
	v16 =	vld.idx.msk [tilespmem:v25+s17+$0x0], $0xffff  }
0x139: {  	v32 =	vor.u32 $0x3, v11;
	s16 =	sadd.s32 s16, s1;
	[tilespmem:s24+$0x80] =	vst v9;
	v23 =	vld.idx.msk [tilespmem:v26+s17+$0x0], $0xffff  }
0x13a: {  	[tilespmem:s16+$0x0] =	vst v12;
	v14 =	vld.idx.msk [tilespmem:v14+s17+$0x0], $0xffff  }
0x13b: {  	v11 =	vor.u32 $0x3, v19;
	v34 =	vor.u32 $0x3, v13;
	v13 =	vor.u32 $0x2, v18;
	[tilespmem:s3+$0x100] =	vst v21;
	v33 =	vld.idx.msk [tilespmem:v15+s17+$0x0], $0xffff  }
0x13c: {  	v10 =	vor.u32 $0x3, v18;
	v19 =	vor.u32 $0x1, v35;
	[tilespmem:s26+$0x100] =	vst v27;
	v25 =	vld.idx.msk [tilespmem:v30+s17+$0x0], $0xffff;
	v27 =	vshll.u32 v24, $0x2  }
0x13d: {  	v9 =	vor.u32 $0x3, v20;
	v12 =	vor.u32 $0x2, v35;
	v30 =	vshll.u32 v28, $0x2;
	v28 =	vld.idx.msk [tilespmem:v35+s17+$0x0], $0xffff;
	[tilespmem:s29+$0x180] =	vst v31  }
0x13e: {  	v15 =	vor.u32 $0x2, v20;
	v26 =	vld.idx.msk [tilespmem:v32+s17+$0x0], $0xffff;
	v17 =	vor.u32 $0x1, v27;
	v21 =	vor.u32 $0x2, v27;
	[tilespmem:s15+$0x80] =	vst v16  }
0x13f: {  	s31 =	simm.s32 $0x200;
	v20 =	vor.u32 $0x3, v35;
	v18 =	vor.u32 $0x1, v30;
	v22 =	vor.u32 $0x2, v30;
	v29 =	vld.idx.msk [tilespmem:v8+s17+$0x0], $0xffff;
	[tilespmem:s24+$0x100] =	vst v14  }
0x140: {  	s1 =	sand.u32 $0x3FFFF800, s31;
	s7 =	sshll.u32 s18, $0x9;
	s29 =	simm.s32 $0x8;
	v16 =	vor.u32 $0x3, v27;
	v31 =	vor.u32 $0x1, v8;
	v14 =	vor.u32 $0x3, v30;
	[tilespmem:s16+$0x80] =	vst v33;
	v24 =	vld.idx.msk [tilespmem:v34+s17+$0x0], $0xffff  }
.LBB2_7:
0x141: {  	s29 =	sadd.s32 $0x4, s29;
	s1 =	sor.u32 s7, s1;
	v27 =	vld.idx.msk [tilespmem:v27+s17+$0x0], $0xffff;
	[tilespmem:s0+$0x100] =	vst v23  }
0x142: {  	s4 =	sshrl.u32 s29, $0x3;
	p0 =	slt.u32 s29, $0xFC;
	s1 =	sadd.s32 $0xB120, s1;
	v23 =	vld.idx.msk [tilespmem:v30+s17+$0x0], $0xffff;
	[tilespmem:s3+$0x180] =	vst v25  }
0x143: {  	s3 =	sshll.u32 s29, $0x2;
	s18 =	sand.u32 $0x3, s4;
	s4 =	sadd.s32 s30, s1;
	v25 =	vld.idx.msk [tilespmem:v15+s17+$0x0], $0xffff;
	[tilespmem:s26+$0x180] =	vst v26;
	v15 =	vmov v21  }
0x144: {  	s9 =	sadd.s32 $0x40, s9;
	s3 =	sand.u32 $0x3FFFFF80, s3;
	s5 =	sshll.u32 s18, $0xA;
	[tilespmem:s4+$0x0] =	vst v29;
	v21 =	vld.idx.msk [tilespmem:v13+s17+$0x0], $0xffff;
	v13 =	vmov v22  }
0x145: {  	s3 =	sadd.s32 s3, s5;
	s5 =	sor.u32 s8, s1;
	s8 =	sand.u32 $0x40, s9;
	v22 =	vld.idx.msk [tilespmem:v31+s17+$0x0], $0xffff;
	[tilespmem:s24+$0x180] =	vst v24  }
0x146: {  	s3 =	sadd.s32 $0x120, s3;
	s7 =	sor.u32 $0x10, s8;
	s30 =	sor.u32 $0x30, s8;
	[tilespmem:s5+$0x0] =	vst v28;
	v24 =	vld.idx.msk [tilespmem:v11+s17+$0x0], $0xffff;
	v11 =	vmov v20  }
0x147: {  	s14 =	sor.u32 $0x20, s8;
	v20 =	vor.u32 $0x2, v8;
	s11 =	sor.u32 s8, s3;
	s23 =	sadd.s32 s30, s3;
	v19 =	vld.idx.msk [tilespmem:v19+s17+$0x0], $0xffff  }
0x148: {  	s25 =	sor.u32 s7, s3;
	s26 =	sadd.s32 s14, s3;
	v26 =	vld [tilespmem:s23+$0x2000];
	s23 =	sor.u32 s12, s1  }
0x149: {  	s24 =	smov.u32 s4;
	s1 =	sadd.s32 s13, s1;
	s12 =	smov.u32 s7;
	v28 =	vld [tilespmem:s11+$0x2000];
	[tilespmem:s23+$0x0] =	vst v27  }
0x14a: {  	s3 =	smov.u32 s15;
	s13 =	smov.u32 s14;
	s15 =	smov.u32 s23;
	v27 =	vld [tilespmem:s25+$0x2000];
	[tilespmem:s1+$0x0] =	vst v23  }
0x14b: {  	v29 =	vld [tilespmem:s26+$0x2000];
	[tilespmem:s24+$0x80] =	vst v22;
	s26 =	smov.u32 s16;
	s16 =	smov.u32 s1  }
0x14c: {  	v31 =	vld.idx.msk [tilespmem:v20+s17+$0x0], $0xffff;
	[tilespmem:s3+$0x100] =	vst v25  }
0x14d: {  	v32 =	vshll.u32 v26, $0x2;
	[tilespmem:s5+$0x80] =	vst v19;
	v33 =	vld.idx.msk [tilespmem:v17+s17+$0x0], $0xffff  }
0x14e: {  	v35 =	vor.u32 $0x3, v8;
	v28 =	vshll.u32 v28, $0x2;
	v34 =	vld.idx.msk [tilespmem:v18+s17+$0x0], $0xffff;
	[tilespmem:s26+$0x100] =	vst v21;
	v8 =	vmov v32  }
0x14f: {  	v19 =	vor.u32 $0x1, v28;
	v27 =	vshll.u32 v27, $0x2;
	v23 =	vld.idx.msk [tilespmem:v12+s17+$0x0], $0xffff;
	v12 =	vor.u32 $0x2, v28;
	[tilespmem:s0+$0x180] =	vst v24;
	s0 =	smov.u32 s5  }
.Ltmp2:
0x150: {  	v17 =	vor.u32 $0x1, v27;
	v21 =	vor.u32 $0x2, v27;
	v30 =	vshll.u32 v29, $0x2;
	v25 =	vld.idx.msk [tilespmem:v9+s17+$0x0], $0xffff;
	v9 =	vmovc v16;
	(pc) =	sbr.rel @p0 .LBB2_7-.Ltmp2, $4  }
0x151: {  	v20 =	vor.u32 $0x3, v28;
	v18 =	vor.u32 $0x1, v30;
	v22 =	vor.u32 $0x2, v30;
	v26 =	vld.idx.msk [tilespmem:v10+s17+$0x0], $0xffff;
	v10 =	vmovc v14  }
0x152: {  	v16 =	vor.u32 $0x3, v27;
	v14 =	vor.u32 $0x3, v30;
	v29 =	vld.idx.msk [tilespmem:v32+s17+$0x0], $0xffff;
	[tilespmem:s24+$0x100] =	vst v31  }
0x153: {  	s1 =	sshll.u32 s29, $0x6;
	[tilespmem:s15+$0x80] =	vst v33;
	v24 =	vld.idx.msk [tilespmem:v35+s17+$0x0], $0xffff  }
0x154: {  	s7 =	sshll.u32 s18, $0x9;
	s1 =	sand.u32 $0x3FFFF800, s1;
	v31 =	vor.u32 $0x1, v8;
	v28 =	vld.idx.msk [tilespmem:v28+s17+$0x0], $0xffff;
	[tilespmem:s16+$0x80] =	vst v34  }
0x155: {  	_ =	sdelay $0x3  }
0x156: {  	s1 =	sor.u32 s7, s1;
	v27 =	vld.idx.msk [tilespmem:v27+s17+$0x0], $0xffff;
	[tilespmem:s0+$0x100] =	vst v23  }
0x157: {  	v56 =	vld.idx.msk [tilespmem:v30+s17+$0x0], $0xffff;
	[tilespmem:s3+$0x180] =	vst v25;
	s1 =	sadd.s32 $0xB120, s1  }
0x158: {  	[tilespmem:s26+$0x180] =	vst v26;
	s23 =	sadd.s32 s30, s1  }
0x159: {  	v15 =	vld.idx.msk [tilespmem:v15+s17+$0x0], $0xffff;
	s4 =	sor.u32 s8, s1;
	[tilespmem:s23+$0x0] =	vst v29  }
0x15a: {  	s5 =	sor.u32 s12, s1;
	v57 =	vld.idx.msk [tilespmem:v31+s17+$0x0], $0xffff;
	[tilespmem:s4+$0x0] =	vst v28  }
0x15b: {  	v58 =	vor.u32 $0x2, v8;
	s1 =	sadd.s32 s13, s1;
	v19 =	vld.idx.msk [tilespmem:v19+s17+$0x0], $0xffff;
	[tilespmem:s5+$0x0] =	vst v27  }
0x15c: {  	[tilespmem:s1+$0x0] =	vst v56;
	v17 =	vld.idx.msk [tilespmem:v17+s17+$0x0], $0xffff  }
0x15d: {  	[tilespmem:s24+$0x180] =	vst v24;
	v18 =	vld.idx.msk [tilespmem:v18+s17+$0x0], $0xffff  }
0x15e: {  	v13 =	vld.idx.msk [tilespmem:v13+s17+$0x0], $0xffff;
	[tilespmem:s15+$0x100] =	vst v15  }
0x15f: {  	v11 =	vld.idx.msk [tilespmem:v11+s17+$0x0], $0xffff;
	[tilespmem:s23+$0x80] =	vst v57  }
0x160: {  	v59 =	vld.idx.msk [tilespmem:v58+s17+$0x0], $0xffff;
	[tilespmem:s4+$0x80] =	vst v19  }
0x161: {  	v8 =	vor.u32 $0x3, v8;
	v12 =	vld.idx.msk [tilespmem:v12+s17+$0x0], $0xffff;
	[tilespmem:s5+$0x80] =	vst v17  }
0x162: {  	[tilespmem:s1+$0x80] =	vst v18;
	v17 =	vld.idx.msk [tilespmem:v21+s17+$0x0], $0xffff  }
0x163: {  	[tilespmem:s16+$0x100] =	vst v13;
	v60 =	vld.idx.msk [tilespmem:v22+s17+$0x0], $0xffff  }
0x164: {  	[tilespmem:s0+$0x180] =	vst v11;
	v9 =	vld.idx.msk [tilespmem:v9+s17+$0x0], $0xffff  }
0x165: {  	v10 =	vld.idx.msk [tilespmem:v10+s17+$0x0], $0xffff;
	[tilespmem:s23+$0x100] =	vst v59  }
0x166: {  	v8 =	vld.idx.msk [tilespmem:v8+s17+$0x0], $0xffff;
	[tilespmem:s4+$0x100] =	vst v12  }
0x167: {  	v61 =	vld.idx.msk [tilespmem:v20+s17+$0x0], $0xffff;
	[tilespmem:s5+$0x100] =	vst v17  }
0x168: {  	[tilespmem:s1+$0x100] =	vst v60;
	v62 =	vld.idx.msk [tilespmem:v16+s17+$0x0], $0xffff  }
0x169: {  	[tilespmem:s15+$0x180] =	vst v9;
	v63 =	vld.idx.msk [tilespmem:v14+s17+$0x0], $0xffff  }
0x16a: {  	[tilespmem:s16+$0x180] =	vst v10  }
0x16b: {  	s25 =	sshll.u32 s6, $0x8;
	[tilespmem:s23+$0x180] =	vst v8  }
0x16c: {  	s29 =	rddreg [dreg:$0x3];
	s26 =	sshll.u32 s6, $0xB;
	s0 =	sand.u32 $0x1F00, s25;
	[tilespmem:s4+$0x180] =	vst v61  }
0x16d: {  	s3 =	sand.u32 $0xFFF0000, s26;
	s0 =	sadd.s32 s29, s0;
	[tilespmem:s5+$0x180] =	vst v62  }
0x16e: {  	s30 =	simm.s32 $0xB120;
	s0 =	sadd.s32 s3, s0;
	[tilespmem:s1+$0x180] =	vst v63  }
0x16f: {  	[hbm4b:s0+s21] =	stream.strided.scatter [tilespmem:s30], [sflag:$0x6], $0x4000, s22, s21, $0x38;
	[tilespmem:$0xF120] =	vst v63  }
0x170: {  	s0 =	sadd.s32 $0x4, s19;
	s31 =	rddreg [dreg:$0x9]  }
0x171: {  	p0 =	sge.u32 s0, s31  }
0x172: {  	s0 =	sshll.u32 @!p0 s0, $0x9  }
0x173: {  	s2 =	sadd.s32 $0x1, s2;
	s0 =	sand.u32 @!p0 $0x1FFFFE00, s0  }
0x174: {  	s1 =	simm.s32 @!p0 $0x0;
	s3 =	simm.s32 @!p0 $0x1120;
	s0 =	sadd.s32 @!p0 s28, s0  }
0x175: {  	[tilespmem:s3], [sflag:$0x2] =	stream.linear.gather @!p0 [hbm4b:s0+s1], $0x1000, $0x38;
	[tilespmem:$0xF120] =	vst v63  }
0x176: {  	p0 =	sne.s32 s2, $0x8  }
.Ltmp3:
0x177: {  	_ = 	snop;
	(pc) =	sbr.rel @p0 .LBB2_2-.Ltmp3, $2  }
0x178: {  	_ =	sdelay $0x2  }
0x179: {  	s25 =	smov.u32 s28  }
0x17a: {  	_ =	swait.ge [sflag:s20], $0x1000;
	s0 =	simm.s32 $0x0  }
0x17b: {  	s1 =	simm.s32 $0x0;
	s2 =	simm.s32 $0x0;
	s23 =	simm.s32 $0x4  }
0x17c: {  	[sflag:s20] =	ssyncset.done $0x0;
	s0 =	sand.u32 $0x3, s0;
	s1 =	sand.u32 $0x3FFFFF80, s1  }
0x17d: {  	s4 =	sand.u32 $0x40, s2;
	[sflag:s20] =	ssyncadd.s32 $0xFFFFF000;
	s3 =	sshll.u32 s0, $0xA  }
0x17e: {  	s2 =	sor.u32 $0x30, s4;
	_ =	swait.ge [sflag:s23], $0x4000;
	s1 =	sadd.s32 s1, s3  }
0x17f: {  	s5 =	sor.u32 $0x10, s4;
	[sflag:s23] =	ssyncset.done $0x0;
	s1 =	sadd.s32 $0x120, s1  }
0x180: {  	s16 =	sor.u32 $0x20, s4;
	[sflag:s23] =	ssyncadd.s32 $0xFFFFC000;
	s14 =	sadd.s32 s2, s1  }
0x181: {  	s15 =	sor.u32 s4, s1;
	s6 =	sor.u32 s5, s1;
	s1 =	sadd.s32 s16, s1;
	v8 =	vld [tilespmem:s14+$0x0]  }
0x182: {  	v11 =	vld [tilespmem:s1+$0x0]  }
0x183: {  	s18 =	simm.s32 $0x0;
	v9 =	vld [tilespmem:s15+$0x0]  }
0x184: {  	s19 =	simm.s32 $0x0;
	s0 =	sshll.u32 s0, $0x9;
	s1 =	sand.u32 $0x3FFFF800, s18  }
0x185: {  	s24 =	simm.s32 $0x10;
	s0 =	sor.u32 s0, s1;
	s1 =	sand.u32 $0x3, s19  }
0x186: {  	s9 =	simm.s32 $0x40;
	s8 =	sand.u32 $0x3FFFFF80, s24;
	v10 =	vld [tilespmem:s6+$0x0];
	s26 =	sshll.u32 s1, $0xA;
	v8 =	vshll.u32 v8, $0x2  }
0x187: {  	s28 =	sand.u32 $0x40, s9;
	s6 =	sadd.s32 s8, s26;
	v11 =	vshll.u32 v11, $0x2  }
0x188: {  	s24 =	sor.u32 $0x10, s28;
	s8 =	sadd.s32 $0x120, s6;
	v9 =	vshll.u32 v9, $0x2  }
0x189: {  	s11 =	sor.u32 s24, s8  }
0x18a: {  	s12 =	simm.s32 $0x100;
	s9 =	sor.u32 $0x30, s28;
	s31 =	sor.u32 $0x20, s28;
	v21 =	vld [tilespmem:s11+$0x0]  }
0x18b: {  	s3 =	sand.u32 $0x3FFFF800, s12;
	s12 =	simm.s32 $0x80;
	s7 =	sadd.s32 $0x3120, s0;
	v10 =	vshll.u32 v10, $0x2;
	v12 =	vld.idx.msk [tilespmem:v8+s17+$0x0], $0xffff  }
0x18c: {  	s14 =	simm.s32 $0x1;
	s1 =	sshll.u32 s1, $0x9;
	s0 =	sadd.s32 s2, s7;
	v13 =	vor.u32 $0x1, v8;
	v17 =	vld.idx.msk [tilespmem:v11+s17+$0x0], $0xffff  }
0x18d: {  	s15 =	sadd.s32 s16, s7;
	s26 =	sand.u32 $0x3, s14;
	s30 =	sor.u32 s28, s8;
	v14 =	vld.idx.msk [tilespmem:v9+s17+$0x0], $0xffff  }
0x18e: {  	s16 =	simm.s32 $0x20;
	s29 =	sadd.s32 s9, s8;
	s8 =	sadd.s32 s31, s8;
	v19 =	vld [tilespmem:s30+$0x0]  }
0x18f: {  	s1 =	sor.u32 s1, s3;
	s19 =	sshll.u32 s26, $0xA;
	s3 =	sand.u32 $0x3FFFFF80, s16;
	v15 =	vor.u32 $0x1, v9;
	v23 =	vld [tilespmem:s8+$0x0]  }
0x190: {  	s3 =	sadd.s32 s3, s19;
	s8 =	sand.u32 $0x40, s12;
	v16 =	vld.idx.msk [tilespmem:v10+s17+$0x0], $0xffff;
	[tilespmem:s0+$0x0] =	vst v12  }
0x191: {  	s18 =	sor.u32 s4, s7;
	s4 =	sadd.s32 $0x120, s3;
	s3 =	sor.u32 $0x10, s8;
	[tilespmem:s15+$0x0] =	vst v17;
	v17 =	vshll.u32 v21, $0x2;
	v12 =	vld.idx.msk [tilespmem:v13+s17+$0x0], $0xffff  }
0x192: {  	s30 =	sor.u32 s3, s4;
	[tilespmem:s18+$0x0] =	vst v14;
	v14 =	vld [tilespmem:s29+$0x0];
	v13 =	vor.u32 $0x2, v8  }
0x193: {  	v18 =	vor.u32 $0x1, v10;
	v28 =	vld [tilespmem:s30+$0x0]  }
0x194: {  	s13 =	sor.u32 s5, s7;
	v20 =	vor.u32 $0x1, v11;
	s29 =	sor.u32 s8, s4;
	v15 =	vld.idx.msk [tilespmem:v15+s17+$0x0], $0xffff  }
0x195: {  	v22 =	vor.u32 $0x2, v9;
	[tilespmem:s13+$0x0] =	vst v16;
	v26 =	vld [tilespmem:s29+$0x0]  }
0x196: {  	v16 =	vshll.u32 v19, $0x2;
	v24 =	vld.idx.msk [tilespmem:v17+s17+$0x0], $0xffff;
	[tilespmem:s0+$0x80] =	vst v12  }
0x197: {  	v12 =	vld.idx.msk [tilespmem:v13+s17+$0x0], $0xffff;
	v13 =	vshll.u32 v14, $0x2  }
0x198: {  	v19 =	vshll.u32 v23, $0x2;
	v14 =	vld.idx.msk [tilespmem:v18+s17+$0x0], $0xffff  }
0x199: {  	v8 =	vor.u32 $0x3, v8;
	[tilespmem:s18+$0x80] =	vst v15;
	v15 =	vld.idx.msk [tilespmem:v20+s17+$0x0], $0xffff  }
0x19a: {  	v20 =	vor.u32 $0x2, v10;
	v18 =	vld.idx.msk [tilespmem:v22+s17+$0x0], $0xffff  }
0x19b: {  	v9 =	vor.u32 $0x3, v9;
	v22 =	vld.idx.msk [tilespmem:v16+s17+$0x0], $0xffff  }
0x19c: {  	v25 =	vor.u32 $0x1, v16;
	v21 =	vld.idx.msk [tilespmem:v13+s17+$0x0], $0xffff;
	[tilespmem:s0+$0x100] =	vst v12  }
0x19d: {  	v23 =	vor.u32 $0x1, v13;
	[tilespmem:s13+$0x80] =	vst v14;
	v14 =	vld.idx.msk [tilespmem:v19+s17+$0x0], $0xffff  }
0x19e: {  	s1 =	sadd.s32 $0x3120, s1;
	v8 =	vld.idx.msk [tilespmem:v8+s17+$0x0], $0xffff  }
0x19f: {  	s2 =	sor.u32 s28, s1;
	[tilespmem:s18+$0x100] =	vst v18;
	v20 =	vld.idx.msk [tilespmem:v20+s17+$0x0], $0xffff  }
0x1a0: {  	s9 =	sadd.s32 s9, s1;
	v12 =	vor.u32 $0x2, v11;
	[tilespmem:s2+$0x0] =	vst v22;
	v18 =	vld.idx.msk [tilespmem:v9+s17+$0x0], $0xffff  }
0x1a1: {  	s19 =	sor.u32 $0x30, s8;
	v9 =	vld.idx.msk [tilespmem:v25+s17+$0x0], $0xffff;
	v25 =	vor.u32 $0x1, v19;
	[tilespmem:s9+$0x0] =	vst v21  }
0x1a2: {  	v29 =	vor.u32 $0x3, v10;
	s16 =	sor.u32 $0x20, s8;
	s28 =	sadd.s32 s19, s4;
	[tilespmem:s15+$0x80] =	vst v15;
	v15 =	vld.idx.msk [tilespmem:v23+s17+$0x0], $0xffff  }
0x1a3: {  	s6 =	sadd.s32 s31, s1;
	s4 =	sadd.s32 s16, s4;
	v21 =	vor.u32 $0x2, v13;
	v23 =	vld [tilespmem:s28+$0x0]  }
0x1a4: {  	v30 =	vld [tilespmem:s4+$0x0];
	v22 =	vor.u32 $0x1, v17;
	[tilespmem:s6+$0x0] =	vst v14  }
0x1a5: {  	v27 =	vor.u32 $0x2, v16;
	v12 =	vld.idx.msk [tilespmem:v12+s17+$0x0], $0xffff;
	[tilespmem:s0+$0x180] =	vst v8  }
0x1a6: {  	v31 =	vor.u32 $0x3, v11;
	v32 =	vld.idx.msk [tilespmem:v25+s17+$0x0], $0xffff;
	[tilespmem:s13+$0x100] =	vst v20  }
0x1a7: {  	v34 =	vshll.u32 v26, $0x2;
	s0 =	sor.u32 s24, s1;
	v25 =	vld.idx.msk [tilespmem:v29+s17+$0x0], $0xffff;
	[tilespmem:s9+$0x80] =	vst v15  }
0x1a8: {  	[tilespmem:s0+$0x0] =	vst v24;
	v8 =	vshll.u32 v23, $0x2;
	v24 =	vld.idx.msk [tilespmem:v21+s17+$0x0], $0xffff  }
0x1a9: {  	v10 =	vor.u32 $0x3, v19;
	v30 =	vshll.u32 v30, $0x2;
	v33 =	vor.u32 $0x3, v13;
	[tilespmem:s2+$0x80] =	vst v9;
	v14 =	vld.idx.msk [tilespmem:v22+s17+$0x0], $0xffff  }
0x1aa: {  	v11 =	vor.u32 $0x3, v16;
	v13 =	vor.u32 $0x2, v19;
	[tilespmem:s15+$0x100] =	vst v12;
	v23 =	vld.idx.msk [tilespmem:v27+s17+$0x0], $0xffff;
	v27 =	vshll.u32 v28, $0x2  }
0x1ab: {  	v19 =	vor.u32 $0x1, v34;
	v9 =	vor.u32 $0x3, v17;
	[tilespmem:s18+$0x180] =	vst v18;
	v20 =	vor.u32 $0x3, v34;
	v26 =	vld.idx.msk [tilespmem:v31+s17+$0x0], $0xffff  }
0x1ac: {  	v18 =	vor.u32 $0x1, v30;
	v22 =	vor.u32 $0x2, v30;
	v15 =	vor.u32 $0x2, v17;
	v28 =	vld.idx.msk [tilespmem:v34+s17+$0x0], $0xffff;
	[tilespmem:s6+$0x80] =	vst v32  }
0x1ad: {  	s31 =	simm.s32 $0x200;
	v12 =	vor.u32 $0x2, v34;
	v17 =	vor.u32 $0x1, v27;
	v21 =	vor.u32 $0x2, v27;
	v29 =	vld.idx.msk [tilespmem:v8+s17+$0x0], $0xffff;
	[tilespmem:s9+$0x100] =	vst v24  }
0x1ae: {  	s7 =	sshll.u32 s26, $0x9;
	s24 =	simm.s32 $0x8;
	s1 =	sand.u32 $0x3FFFF800, s31;
	v16 =	vor.u32 $0x3, v27;
	v31 =	vor.u32 $0x1, v8;
	[tilespmem:s0+$0x80] =	vst v14;
	v14 =	vor.u32 $0x3, v30;
	v24 =	vld.idx.msk [tilespmem:v33+s17+$0x0], $0xffff  }
.LBB2_10:
0x1af: {  	s24 =	sadd.s32 $0x4, s24;
	s1 =	sor.u32 s7, s1;
	v27 =	vld.idx.msk [tilespmem:v27+s17+$0x0], $0xffff;
	[tilespmem:s2+$0x100] =	vst v23  }
0x1b0: {  	s4 =	sshrl.u32 s24, $0x3;
	p0 =	slt.u32 s24, $0xFC;
	s1 =	sadd.s32 $0x3120, s1;
	v23 =	vld.idx.msk [tilespmem:v30+s17+$0x0], $0xffff;
	[tilespmem:s13+$0x180] =	vst v25  }
0x1b1: {  	s18 =	sand.u32 $0x3, s4;
	s4 =	sshll.u32 s24, $0x2;
	s5 =	sadd.s32 s19, s1;
	v25 =	vld.idx.msk [tilespmem:v15+s17+$0x0], $0xffff;
	[tilespmem:s15+$0x180] =	vst v26;
	v15 =	vmov v21  }
0x1b2: {  	s12 =	sadd.s32 $0x40, s12;
	s7 =	sshll.u32 s18, $0xA;
	s4 =	sand.u32 $0x3FFFFF80, s4;
	[tilespmem:s5+$0x0] =	vst v29;
	v21 =	vld.idx.msk [tilespmem:v13+s17+$0x0], $0xffff;
	v13 =	vmov v22  }
0x1b3: {  	s4 =	sadd.s32 s4, s7;
	s7 =	sor.u32 s8, s1;
	s8 =	sand.u32 $0x40, s12;
	v22 =	vld.idx.msk [tilespmem:v31+s17+$0x0], $0xffff;
	[tilespmem:s9+$0x180] =	vst v24  }
0x1b4: {  	s4 =	sadd.s32 $0x120, s4;
	s11 =	sor.u32 $0x10, s8;
	s19 =	sor.u32 $0x30, s8;
	[tilespmem:s7+$0x0] =	vst v28;
	v24 =	vld.idx.msk [tilespmem:v11+s17+$0x0], $0xffff;
	v11 =	vmov v20  }
0x1b5: {  	s13 =	sor.u32 $0x20, s8;
	v20 =	vor.u32 $0x2, v8;
	s9 =	sor.u32 s8, s4;
	s14 =	sadd.s32 s19, s4;
	v19 =	vld.idx.msk [tilespmem:v19+s17+$0x0], $0xffff  }
0x1b6: {  	s15 =	sor.u32 s11, s4;
	s4 =	sadd.s32 s13, s4;
	v26 =	vld [tilespmem:s14+$0x0];
	s14 =	sor.u32 s3, s1  }
0x1b7: {  	s1 =	sadd.s32 s16, s1;
	s3 =	smov.u32 s11;
	v28 =	vld [tilespmem:s9+$0x0];
	[tilespmem:s14+$0x0] =	vst v27;
	s9 =	smov.u32 s5  }
0x1b8: {  	s16 =	smov.u32 s13;
	s13 =	smov.u32 s0;
	s0 =	smov.u32 s14;
	v27 =	vld [tilespmem:s15+$0x0];
	[tilespmem:s1+$0x0] =	vst v23  }
0x1b9: {  	s15 =	smov.u32 s6;
	s6 =	smov.u32 s1;
	v29 =	vld [tilespmem:s4+$0x0];
	[tilespmem:s9+$0x80] =	vst v22  }
0x1ba: {  	v31 =	vld.idx.msk [tilespmem:v20+s17+$0x0], $0xffff;
	[tilespmem:s13+$0x100] =	vst v25  }
0x1bb: {  	v32 =	vshll.u32 v26, $0x2;
	[tilespmem:s7+$0x80] =	vst v19;
	v33 =	vld.idx.msk [tilespmem:v17+s17+$0x0], $0xffff  }
0x1bc: {  	v35 =	vor.u32 $0x3, v8;
	v28 =	vshll.u32 v28, $0x2;
	v34 =	vld.idx.msk [tilespmem:v18+s17+$0x0], $0xffff;
	[tilespmem:s15+$0x100] =	vst v21;
	v8 =	vmov v32  }
0x1bd: {  	v19 =	vor.u32 $0x1, v28;
	v27 =	vshll.u32 v27, $0x2;
	v23 =	vld.idx.msk [tilespmem:v12+s17+$0x0], $0xffff;
	v12 =	vor.u32 $0x2, v28;
	[tilespmem:s2+$0x180] =	vst v24;
	s2 =	smov.u32 s7  }
.Ltmp4:
0x1be: {  	v17 =	vor.u32 $0x1, v27;
	v21 =	vor.u32 $0x2, v27;
	v30 =	vshll.u32 v29, $0x2;
	v25 =	vld.idx.msk [tilespmem:v9+s17+$0x0], $0xffff;
	v9 =	vmovc v16;
	(pc) =	sbr.rel @p0 .LBB2_10-.Ltmp4, $4  }
0x1bf: {  	v20 =	vor.u32 $0x3, v28;
	v18 =	vor.u32 $0x1, v30;
	v22 =	vor.u32 $0x2, v30;
	v26 =	vld.idx.msk [tilespmem:v10+s17+$0x0], $0xffff;
	v10 =	vmovc v14  }
0x1c0: {  	v16 =	vor.u32 $0x3, v27;
	v14 =	vor.u32 $0x3, v30;
	v29 =	vld.idx.msk [tilespmem:v32+s17+$0x0], $0xffff;
	[tilespmem:s9+$0x100] =	vst v31  }
0x1c1: {  	s1 =	sshll.u32 s24, $0x6;
	[tilespmem:s0+$0x80] =	vst v33;
	v24 =	vld.idx.msk [tilespmem:v35+s17+$0x0], $0xffff  }
0x1c2: {  	s1 =	sand.u32 $0x3FFFF800, s1;
	s7 =	sshll.u32 s18, $0x9;
	v31 =	vor.u32 $0x1, v8;
	v28 =	vld.idx.msk [tilespmem:v28+s17+$0x0], $0xffff;
	[tilespmem:s6+$0x80] =	vst v34  }
0x1c3: {  	_ =	sdelay $0x3  }
0x1c4: {  	s1 =	sor.u32 s7, s1;
	v27 =	vld.idx.msk [tilespmem:v27+s17+$0x0], $0xffff;
	[tilespmem:s2+$0x100] =	vst v23  }
0x1c5: {  	v56 =	vld.idx.msk [tilespmem:v30+s17+$0x0], $0xffff;
	[tilespmem:s13+$0x180] =	vst v25;
	s1 =	sadd.s32 $0x3120, s1  }
0x1c6: {  	[tilespmem:s15+$0x180] =	vst v26;
	s4 =	sadd.s32 s19, s1  }
0x1c7: {  	v15 =	vld.idx.msk [tilespmem:v15+s17+$0x0], $0xffff;
	s5 =	sor.u32 s8, s1;
	[tilespmem:s4+$0x0] =	vst v29  }
0x1c8: {  	s3 =	sor.u32 s3, s1;
	v57 =	vld.idx.msk [tilespmem:v31+s17+$0x0], $0xffff;
	[tilespmem:s5+$0x0] =	vst v28  }
0x1c9: {  	v58 =	vor.u32 $0x2, v8;
	s1 =	sadd.s32 s16, s1;
	v19 =	vld.idx.msk [tilespmem:v19+s17+$0x0], $0xffff;
	[tilespmem:s3+$0x0] =	vst v27  }
0x1ca: {  	[tilespmem:s1+$0x0] =	vst v56;
	v17 =	vld.idx.msk [tilespmem:v17+s17+$0x0], $0xffff  }
0x1cb: {  	[tilespmem:s9+$0x180] =	vst v24;
	v18 =	vld.idx.msk [tilespmem:v18+s17+$0x0], $0xffff  }
0x1cc: {  	v13 =	vld.idx.msk [tilespmem:v13+s17+$0x0], $0xffff;
	[tilespmem:s0+$0x100] =	vst v15  }
0x1cd: {  	v11 =	vld.idx.msk [tilespmem:v11+s17+$0x0], $0xffff;
	[tilespmem:s4+$0x80] =	vst v57  }
0x1ce: {  	v59 =	vld.idx.msk [tilespmem:v58+s17+$0x0], $0xffff;
	[tilespmem:s5+$0x80] =	vst v19  }
0x1cf: {  	v8 =	vor.u32 $0x3, v8;
	v12 =	vld.idx.msk [tilespmem:v12+s17+$0x0], $0xffff;
	[tilespmem:s3+$0x80] =	vst v17  }
0x1d0: {  	[tilespmem:s1+$0x80] =	vst v18;
	v17 =	vld.idx.msk [tilespmem:v21+s17+$0x0], $0xffff  }
0x1d1: {  	[tilespmem:s6+$0x100] =	vst v13;
	v60 =	vld.idx.msk [tilespmem:v22+s17+$0x0], $0xffff  }
0x1d2: {  	[tilespmem:s2+$0x180] =	vst v11;
	v9 =	vld.idx.msk [tilespmem:v9+s17+$0x0], $0xffff  }
0x1d3: {  	v10 =	vld.idx.msk [tilespmem:v10+s17+$0x0], $0xffff;
	[tilespmem:s4+$0x100] =	vst v59  }
0x1d4: {  	v8 =	vld.idx.msk [tilespmem:v8+s17+$0x0], $0xffff;
	[tilespmem:s5+$0x100] =	vst v12  }
0x1d5: {  	v61 =	vld.idx.msk [tilespmem:v20+s17+$0x0], $0xffff;
	[tilespmem:s3+$0x100] =	vst v17  }
0x1d6: {  	[tilespmem:s1+$0x100] =	vst v60;
	v62 =	vld.idx.msk [tilespmem:v16+s17+$0x0], $0xffff  }
0x1d7: {  	[tilespmem:s0+$0x180] =	vst v9;
	v63 =	vld.idx.msk [tilespmem:v14+s17+$0x0], $0xffff  }
0x1d8: {  	[tilespmem:s6+$0x180] =	vst v10  }
0x1d9: {  	[tilespmem:s4+$0x180] =	vst v8  }
0x1da: {  	[tilespmem:s5+$0x180] =	vst v61  }
0x1db: {  	[tilespmem:s3+$0x180] =	vst v62  }
0x1dc: {  	[tilespmem:s1+$0x180] =	vst v63  }
0x1dd: {  	s26 =	simm.s32 $0x3120;
	s0 =	rddreg [dreg:$0xa]  }
0x1de: {  	[hbm4b:s0+s21] =	stream.strided.scatter [tilespmem:s26], [sflag:$0x4], $0x4000, s22, s21, $0x38;
	[tilespmem:$0xF120] =	vst v63  }
0x1df: {  	_ =	swait.ge [sflag:s23], $0x4000  }
0x1e0: {  	[sflag:s23] =	ssyncset.done $0x0  }
0x1e1: {  	s28 =	simm.s32 $0x6;
	[sflag:s23] =	ssyncadd.s32 $0xFFFFC000  }
0x1e2: {  	_ =	swait.ge [sflag:s28], $0x4000  }
0x1e3: {  	[sflag:s28] =	ssyncset.done $0x0  }
0x1e4: {  	s29 =	simm.s32 $0x5;
	[sflag:s28] =	ssyncadd.s32 $0xFFFFC000  }
0x1e5: {  	_ =	swait.ge [sflag:s29], $0x4000  }
0x1e6: {  	s30 =	rddreg [dreg:$0xd]  }
0x1e7: {  	s31 =	rddreg [dreg:$0xb];
	s2 =	sadd.s32 $0x1, s30  }
0x1e8: {  	p0 =	sne.s32 s2, s31  }
.Ltmp5:
0x1e9: {  	_ = 	snop;
	(pc) =	sbr.rel @p0 .LBB2_1-.Ltmp5, $3  }
0x1ea: {  	_ =	sdelay $0x1  }
0x1eb: {  	[sflag:s29] =	ssyncset.done $0x0  }
0x1ec: {  	[sflag:s29] =	ssyncadd.s32 $0xFFFFC000  }
0x1ed: {  	_ =	sfence.sel $0x180000  }
0x1ee: {  	[bflag:$0x0] =	sbarrier.arrive $0xFFFF  }
0x1ef: {  	_ =	strace $0x90000047  }
0x1f0: {  	s0 =	stileid.u32;
	[bflag:$0x2] =	sbarrier.arrive $0xFFFF  }
0x1f1: {  	p0 =	sne.s32 s0, $0x0;
	s0 =	rddreg [dreg:$0x4]  }
0x1f2: {  	s0 =	sadd.s32 @!p0 $0x100000, s0  }
0x1f3: {  	[sflag:s0] =	ssyncadd.tile.s32 @!p0 $0x1;
	_ =	shalt  }
.Lfunc_end2:
_tile_overlayer_lowered:
.L_overlay_start_2:
0x1f4: {  	(tag) =	ssettag $0x2  }
0x1f5: {  	s0 =	rddreg [dreg:$0x0];
	s2 =	stileid.u32  }
0x1f6: {  	s1 =	rddreg [dreg:$0x1];
	p0 =	sne.s32 s2, $0x0  }
0x1f7: {  	s3 =	rddreg [dreg:$0x2];
	[bflag:$0x3] =	sbarrier.arrive $0xFFFF;
	s2 =	simm.s32 @!p0 $0x1C07  }
0x1f8: {  	[timem:s3], [sflag:s2] =	dma.local @!p0 [hbm:s0], s1  }
0x1f9: {  	s0 =	simm.s32 @!p0 $0x7  }
0x1fa: {  	_ =	swait.ge @!p0 [sflag:s0], s1  }
0x1fb: {  	s1 =	ssub.s32 @!p0 $0x0, s1;
	[sflag:s0] =	ssyncset.done @!p0 $0x0  }
0x1fc: {  	[sflag:s0] =	ssyncadd.s32 @!p0 s1  }
0x1fd: {  	[bflag:$0x3] =	sbarrier.arrive $0xFFFF  }
0x1fe: {  	_ =	shalt  }

</sc_bundles>
